<compile_context>
chip_gen: v7x
topology: tpu7x:2x2x1
jax: 0.10.2.dev20260603
libtpu: 0.0.44.dev20260713+nightly
codegen_flags: <defaults>
</compile_context>

<pallas_src>
import functools

import jax
import jax.numpy as jnp
from jax import lax
from jax.experimental import pallas as pl
from jax.experimental.pallas import tpu as pltpu
from jax.experimental.pallas import tpu_sc as plsc

N = 5000
NPAD = 5120
K = 100
KPAD = 112
D = 256
NI = 117
GRID = 50
IMG = 800.0
HUMAN_IDX = 1
NMS_THRESH = 0.5
L = 16
NSLC = KPAD // L
NB = 20


def _sread(ref, i):
    return ref[pl.ds(i, L)][0]


def _swrite(ref, i, val):
    idx = jnp.full((L,), i, jnp.int32)
    lane = lax.broadcasted_iota(jnp.int32, (L,), 0)
    plsc.store_scatter(ref, [idx], jnp.full((L,), val), mask=lane == 0)


def _sgather(ref, idx):
    return plsc.load_gather(ref, [jnp.full((L,), idx, jnp.int32)])[0]


def _sc_nms_gather(boxes_f, sc_u, lb_u, cell_u, order_v, feat):
    mesh = plsc.VectorSubcoreMesh(
        core_axis_name="c", subcore_axis_name="s", num_cores=2, num_subcores=16
    )

    @functools.partial(
        pl.kernel,
        out_type=[
            jax.ShapeDtypeStruct((KPAD, D), jnp.float32),
            jax.ShapeDtypeStruct((K,), jnp.float32),
            jax.ShapeDtypeStruct((K,), jnp.float32),
        ],
        mesh=mesh,
        scratch_types=[
            pltpu.VMEM((NPAD * 4,), jnp.float32),
            pltpu.VMEM((NPAD,), jnp.float32),
            pltpu.VMEM((NPAD,), jnp.int32),
            pltpu.VMEM((NPAD,), jnp.int32),
            pltpu.VMEM((NPAD,), jnp.int32),
            pltpu.VMEM((KPAD,), jnp.float32),
            pltpu.VMEM((KPAD,), jnp.float32),
            pltpu.VMEM((KPAD,), jnp.float32),
            pltpu.VMEM((KPAD,), jnp.float32),
            pltpu.VMEM((KPAD,), jnp.float32),
            pltpu.VMEM((KPAD,), jnp.float32),
            pltpu.VMEM((KPAD,), jnp.float32),
            pltpu.VMEM((KPAD,), jnp.int32),
            pltpu.VMEM((KPAD,), jnp.int32),
            pltpu.VMEM((KPAD, D), jnp.float32),
            pltpu.SemaphoreType.DMA,
        ],
        compiler_params=pltpu.CompilerParams(needs_layout_passes=False),
    )
    def k(h_bx, h_sc, h_lb, h_cell, h_order, h_feat,
          o_f, o_ph, o_po,
          v_bx, v_sc, v_lb, v_cell_all, v_order,
          g_x1, g_y1, g_x2, g_y2, g_a, v_ph, v_po, v_cell, v_kept, v_frows,
          sem):
        wid = lax.axis_index("s") * 2 + lax.axis_index("c")

        @pl.when(wid == 0)
        def _():
            cps = [
                pltpu.async_copy(h_bx, v_bx.at[pl.ds(0, N * 4)], sem),
                pltpu.async_copy(h_sc, v_sc.at[pl.ds(0, N)], sem),
                pltpu.async_copy(h_lb, v_lb.at[pl.ds(0, N)], sem),
                pltpu.async_copy(h_cell, v_cell_all.at[pl.ds(0, N)], sem),
                pltpu.async_copy(h_order, v_order.at[pl.ds(0, N)], sem),
            ]
            zf = jnp.zeros((L,), jnp.float32)
            zi = jnp.zeros((L,), jnp.int32)
            for g in range(NSLC):
                sl = pl.ds(g * L, L)
                g_x1[sl] = zf
                g_y1[sl] = zf
                g_x2[sl] = zf
                g_y2[sl] = zf
                g_a[sl] = zf
                v_ph[sl] = zf
                v_po[sl] = zf
                v_cell[sl] = zi
                v_kept[sl] = zi
            for c in cps:
                c.wait()

            col = jnp.bitwise_and(lax.broadcasted_iota(jnp.int32, (L,), 0), 3)

            def fetch(i):
                idx = _sread(v_order, i)
                c4 = plsc.load_gather(
                    v_bx, [jnp.full((L,), idx * 4, jnp.int32) + col])
                lb = _sgather(v_lb, idx)
                return idx, c4, lb

            def cond(st):
                return jnp.logical_and(st[0] < N, st[1] < K)

            def body(st):
                i, cnt, idx, c4, lb = st
                idx_n, c4_n, lb_n = fetch(jnp.minimum(i + 1, N - 1))

                off = lb.astype(jnp.float32) * (IMG + 2.0)
                x1 = c4[0] + off
                y1 = c4[1] + off
                x2 = c4[2] + off
                y2 = c4[3] + off
                a = (x2 - x1) * (y2 - y1)

                m = jnp.zeros((L,), jnp.float32)
                for g in range(NSLC):
                    sl = pl.ds(g * L, L)
                    ix = jnp.maximum(
                        jnp.minimum(x2, g_x2[sl]) - jnp.maximum(x1, g_x1[sl]), 0.0)
                    iy = jnp.maximum(
                        jnp.minimum(y2, g_y2[sl]) - jnp.maximum(y1, g_y1[sl]), 0.0)
                    inter = ix * iy
                    denom = a + g_a[sl] - inter + 1e-8
                    m = jnp.maximum(m, inter - NMS_THRESH * denom)
                supp = plsc.all_reduce_population_count(m > 0.0)[0] > 0

                @pl.when(jnp.logical_not(supp))
                def _acc():
                    _swrite(g_x1, cnt, x1)
                    _swrite(g_y1, cnt, y1)
                    _swrite(g_x2, cnt, x2)
                    _swrite(g_y2, cnt, y2)
                    _swrite(g_a, cnt, a)
                    _swrite(v_kept, cnt, idx)

                return (i + 1, jnp.where(supp, cnt, cnt + 1), idx_n, c4_n, lb_n)

            idx0, c40, lb0 = fetch(jnp.int32(0))
            fin = lax.while_loop(cond, body,
                                 (jnp.int32(0), jnp.int32(0), idx0, c40, lb0))
            cnt_fin = fin[1]

            for g in range(NSLC):
                sl = pl.ds(g * L, L)
                ki = v_kept[sl]
                kmask = (lax.broadcasted_iota(jnp.int32, (L,), 0)
                         + g * L) < cnt_fin
                s = plsc.load_gather(v_sc, [ki])
                lbv = plsc.load_gather(v_lb, [ki])
                sz = jnp.where(kmask, s, 0.0)
                v_po[sl] = sz
                v_ph[sl] = jnp.where(lbv == HUMAN_IDX, sz, 0.0)
                v_cell[sl] = plsc.load_gather(v_cell_all, [ki])

            pltpu.async_copy(h_feat.at[v_cell], v_frows, sem).wait()
            pltpu.sync_copy(v_frows, o_f)
            pltpu.sync_copy(v_ph.at[pl.ds(0, K)], o_ph)
            pltpu.sync_copy(v_po.at[pl.ds(0, K)], o_po)

    return k(boxes_f, sc_u, lb_u, cell_u, order_v, feat)


def _tc_pair(f, Wp, ph, po):
    ph4 = ph.reshape(K // NB, NB, 1)
    po_row = po.reshape(1, K)

    def body(f_ref, wp_ref, ph_ref, po_ref, out_ref, a_ref, b_ref):
        step = pl.program_id(0)

        @pl.when(step == 0)
        def _():
            fv = f_ref[...]
            b_ref[...] = jnp.dot(fv, wp_ref[D:2 * D, :],
                                 preferred_element_type=jnp.float32)
            a_full = jnp.dot(fv, wp_ref[0:D, :],
                             preferred_element_type=jnp.float32)
            for t in range(K // NB):
                a_ref[t] = a_full[t * NB:(t + 1) * NB, :]

        A = a_ref[step]
        B = b_ref[...][0:K, :]
        logits = A[:, None, :] + B[None, :, :]
        prior = ph_ref[0] * po_ref[...]
        out_ref[...] = (1.0 / (1.0 + jnp.exp(-logits))) * prior[:, :, None]

    return pl.pallas_call(
        body,
        grid=(K // NB,),
        in_specs=[
            pl.BlockSpec((KPAD, D), lambda i: (0, 0)),
            pl.BlockSpec((2 * D, NI), lambda i: (0, 0)),
            pl.BlockSpec((1, NB, 1), lambda i: (i, 0, 0)),
            pl.BlockSpec((1, K), lambda i: (0, 0)),
        ],
        out_specs=pl.BlockSpec((NB, K, NI), lambda i: (i, 0, 0)),
        out_shape=jax.ShapeDtypeStruct((K, K, NI), jnp.float32),
        scratch_shapes=[pltpu.VMEM((K // NB, NB, NI), jnp.float32),
                        pltpu.VMEM((KPAD, NI), jnp.float32)],
    )(f, Wp, ph4, po_row)


def kernel(boxes, scores, labels, feat_map, Wp):
    order = jnp.argsort(-lax.stop_gradient(scores)).astype(jnp.int32)
    cx = lax.stop_gradient((boxes[:, 0] + boxes[:, 2]) * 0.5)
    cy = lax.stop_gradient((boxes[:, 1] + boxes[:, 3]) * 0.5)
    gx = jnp.clip((cx / IMG * GRID).astype(jnp.int32), 0, GRID - 1)
    gy = jnp.clip((cy / IMG * GRID).astype(jnp.int32), 0, GRID - 1)
    cell = gy * GRID + gx

    f, ph, po = _sc_nms_gather(
        boxes.reshape(-1), scores, labels, cell, order, feat_map)
    out3 = _tc_pair(f, Wp, ph, po)
    return out3.reshape(K * K, NI)

# --- scband reference (transcript-rebuilt; emitter-appended) ---
"""Pipeline reference for scband-interaction-head-38774964748838 (READ-ONLY COPY).

The authoritative reference and input builder live on the scoring server;
editing this copy changes nothing except your own understanding.
"""

import jax, jax.numpy as jnp
import numpy as np

N = 5000
K = 100
NUM_CLASSES = 80
HUMAN_IDX = 1
NMS_THRESH = 0.5
IMG = 800.0
GRID = 50
D = 256
NUM_INTERACTIONS = 117


def setup_inputs(seed: int = 0) -> dict:
    key = jax.random.key(seed)
    k1, k2, k3, k4, k5 = jax.random.split(key, 5)
    r = jax.random.uniform(k1, (N, 4)) * IMG
    x1 = jnp.minimum(r[:, 0], r[:, 2])
    x2 = jnp.maximum(r[:, 0], r[:, 2]) + 1.0
    y1 = jnp.minimum(r[:, 1], r[:, 3])
    y2 = jnp.maximum(r[:, 1], r[:, 3]) + 1.0
    boxes = jnp.stack([x1, y1, x2, y2], axis=1)
    scores = jax.random.uniform(k2, (N,))
    labels = jax.random.randint(k3, (N,), 0, NUM_CLASSES).astype(jnp.int32)
    feat_map = jax.random.normal(k4, (GRID * GRID, D)) * 0.02
    Wp = jax.random.normal(k5, (2 * D, NUM_INTERACTIONS)) * 0.02
    return {"boxes": boxes, "scores": scores, "labels": labels, "feat_map": feat_map, "Wp": Wp}


def _batched_nms_keep(boxes, scores, labels):
    # torchvision-style batched_nms: per-class offset trick + greedy suppression
    order = jnp.argsort(-jax.lax.stop_gradient(scores))
    b = boxes[order]
    l = labels[order]
    off = l.astype(b.dtype) * (IMG + 2.0)
    bb = b + off[:, None]
    area = (bb[:, 2] - bb[:, 0]) * (bb[:, 3] - bb[:, 1])
    ix = jnp.clip(jnp.minimum(bb[:, None, 2], bb[None, :, 2]) - jnp.maximum(bb[:, None, 0], bb[None, :, 0]), 0.0)
    iy = jnp.clip(jnp.minimum(bb[:, None, 3], bb[None, :, 3]) - jnp.maximum(bb[:, None, 1], bb[None, :, 1]), 0.0)
    inter = ix * iy
    iou = inter / (area[:, None] + area[None, :] - inter + 1e-8)
    iou = jax.lax.stop_gradient(iou)
    idxs = jnp.arange(N)

    def body(i, keep):
        supp = (iou[i] > NMS_THRESH) & (idxs > i) & keep[i]
        return keep & (~supp)

    keep = jax.lax.fori_loop(0, N, body, jnp.ones((N,), dtype=bool))
    return order, keep


def reference(boxes, scores, labels, feat_map, Wp):
    # preprocess: batched NMS over detections
    order, keep = _batched_nms_keep(boxes, scores, labels)
    boxes_s = boxes[order]
    scores_s = scores[order]
    labels_s = labels[order]
    # keep top-K surviving detections (static shapes)
    kept_scores = jax.lax.stop_gradient(scores_s) * keep
    _, topi = jax.lax.top_k(kept_scores, K)
    det_boxes = boxes_s[topi]
    det_scores = scores_s[topi] * keep[topi].astype(scores.dtype)
    det_labels = labels_s[topi]
    # box_roi_pool (simplified): gather feature at box-center grid cell
    cx = jax.lax.stop_gradient((det_boxes[:, 0] + det_boxes[:, 2]) * 0.5)
    cy = jax.lax.stop_gradient((det_boxes[:, 1] + det_boxes[:, 3]) * 0.5)
    gx = jnp.clip((cx / IMG * GRID).astype(jnp.int32), 0, GRID - 1)
    gy = jnp.clip((cy / IMG * GRID).astype(jnp.int32), 0, GRID - 1)
    f = feat_map[gy * GRID + gx]  # [K, D]
    # box_pair_head: all K*K human-object pair features (concat)
    pair = jnp.concatenate([
        jnp.broadcast_to(f[:, None, :], (K, K, D)),
        jnp.broadcast_to(f[None, :, :], (K, K, D)),
    ], axis=-1).reshape(K * K, 2 * D)
    # box_pair_predictor: linear + sigmoid, modulated by score prior
    logits = pair @ Wp
    human = (det_labels == HUMAN_IDX).astype(scores.dtype)
    prior = ((det_scores * human)[:, None] * det_scores[None, :]).reshape(K * K, 1)
    interaction_scores = jax.nn.sigmoid(logits) * prior
    return interaction_scores

if __name__ == "__main__":
    import jax
    _d = setup_inputs()
    print(jax.jit(kernel)(*tuple(_d.values())))

</pallas_src>

<mosaic_0001>
#map = affine_map<(d0, d1) -> (0)>
#map1 = affine_map<(d0, d1) -> (0, 0)>
module attributes {stable_mosaic.version = 14 : i64} {
  func.func @k(%arg0: i32, %arg1: i32, %arg2: memref<20000xf32, #tpu.memory_space<hbm>>, %arg3: memref<5000xf32, #tpu.memory_space<hbm>>, %arg4: memref<5000xi32, #tpu.memory_space<hbm>>, %arg5: memref<5000xi32, #tpu.memory_space<hbm>>, %arg6: memref<5000xi32, #tpu.memory_space<hbm>>, %arg7: memref<2500x256xf32, #tpu.memory_space<hbm>>, %arg8: memref<112x256xf32, #tpu.memory_space<hbm>>, %arg9: memref<100xf32, #tpu.memory_space<hbm>>, %arg10: memref<100xf32, #tpu.memory_space<hbm>>, %arg11: memref<20480xf32, #tpu.memory_space<vmem>>, %arg12: memref<5120xf32, #tpu.memory_space<vmem>>, %arg13: memref<5120xi32, #tpu.memory_space<vmem>>, %arg14: memref<5120xi32, #tpu.memory_space<vmem>>, %arg15: memref<5120xi32, #tpu.memory_space<vmem>>, %arg16: memref<112xf32, #tpu.memory_space<vmem>>, %arg17: memref<112xf32, #tpu.memory_space<vmem>>, %arg18: memref<112xf32, #tpu.memory_space<vmem>>, %arg19: memref<112xf32, #tpu.memory_space<vmem>>, %arg20: memref<112xf32, #tpu.memory_space<vmem>>, %arg21: memref<112xf32, #tpu.memory_space<vmem>>, %arg22: memref<112xf32, #tpu.memory_space<vmem>>, %arg23: memref<112xi32, #tpu.memory_space<vmem>>, %arg24: memref<112xi32, #tpu.memory_space<vmem>>, %arg25: memref<112x256xf32, #tpu.memory_space<vmem>>, %arg26: memref<!tpu.dma_semaphore, #tpu.memory_space<semaphore_mem>>) attributes {dimension_semantics = [#tpu.dimension_semantics<core_parallel>, #tpu.dimension_semantics<subcore_parallel>], iteration_bounds = array<i64: 2, 16>, scalar_prefetch = 0 : i64, scratch_operands = 16 : i64, tpu.core_type = #tpu.core_type<sc_vector_subcore>, window_params = [{transform_indices = #map}, {transform_indices = #map}, {transform_indices = #map}, {transform_indices = #map}, {transform_indices = #map}, {transform_indices = #map1}, {transform_indices = #map1}, {transform_indices = #map}, {transform_indices = #map}]} {
    %mul3A = arith.constant 2 : i32
    %mul3A_0 = arith.muli %arg1, %mul3A : i32
    %add3A = arith.addi %mul3A_0, %arg0 : i32
    %eq3A = arith.constant 0 : i32
    %eq3A_1 = arith.cmpi eq, %add3A, %eq3A : i32
    %convert_element_type3A = arith.extui %eq3A_1 : i1 to i32
    %cond3A = arith.constant 0 : i32
    %cond3A_2 = arith.cmpi ne, %convert_element_type3A, %cond3A : i32
    scf.if %cond3A_2 {
      %dma_start3A = arith.constant 0 : i32
      %dma_start3A_3 = tpu.memref_slice %arg11[%dma_start3A] : memref<20480xf32, #tpu.memory_space<vmem>> -> memref<20000xf32, #tpu.memory_space<vmem>>
      %dma_start3A_4 = arith.constant 0 : i32
      %dma_start3A_5 = tpu.memref_slice %arg11[%dma_start3A_4] : memref<20480xf32, #tpu.memory_space<vmem>> -> memref<20000xf32, #tpu.memory_space<vmem>>
      tpu.enqueue_dma source(%arg2 : memref<20000xf32, #tpu.memory_space<hbm>>) target(%dma_start3A_5 : memref<20000xf32, #tpu.memory_space<vmem>>) target_semaphore(%arg26 : memref<!tpu.dma_semaphore, #tpu.memory_space<semaphore_mem>>)
      %dma_start3A_6 = arith.constant 0 : i32
      %dma_start3A_7 = tpu.memref_slice %arg12[%dma_start3A_6] : memref<5120xf32, #tpu.memory_space<vmem>> -> memref<5000xf32, #tpu.memory_space<vmem>>
      %dma_start3A_8 = arith.constant 0 : i32
      %dma_start3A_9 = tpu.memref_slice %arg12[%dma_start3A_8] : memref<5120xf32, #tpu.memory_space<vmem>> -> memref<5000xf32, #tpu.memory_space<vmem>>
      tpu.enqueue_dma source(%arg3 : memref<5000xf32, #tpu.memory_space<hbm>>) target(%dma_start3A_9 : memref<5000xf32, #tpu.memory_space<vmem>>) target_semaphore(%arg26 : memref<!tpu.dma_semaphore, #tpu.memory_space<semaphore_mem>>)
      %dma_start3A_10 = arith.constant 0 : i32
      %dma_start3A_11 = tpu.memref_slice %arg13[%dma_start3A_10] : memref<5120xi32, #tpu.memory_space<vmem>> -> memref<5000xi32, #tpu.memory_space<vmem>>
      %dma_start3A_12 = arith.constant 0 : i32
      %dma_start3A_13 = tpu.memref_slice %arg13[%dma_start3A_12] : memref<5120xi32, #tpu.memory_space<vmem>> -> memref<5000xi32, #tpu.memory_space<vmem>>
      tpu.enqueue_dma source(%arg4 : memref<5000xi32, #tpu.memory_space<hbm>>) target(%dma_start3A_13 : memref<5000xi32, #tpu.memory_space<vmem>>) target_semaphore(%arg26 : memref<!tpu.dma_semaphore, #tpu.memory_space<semaphore_mem>>)
      %dma_start3A_14 = arith.constant 0 : i32
      %dma_start3A_15 = tpu.memref_slice %arg14[%dma_start3A_14] : memref<5120xi32, #tpu.memory_space<vmem>> -> memref<5000xi32, #tpu.memory_space<vmem>>
      %dma_start3A_16 = arith.constant 0 : i32
      %dma_start3A_17 = tpu.memref_slice %arg14[%dma_start3A_16] : memref<5120xi32, #tpu.memory_space<vmem>> -> memref<5000xi32, #tpu.memory_space<vmem>>
      tpu.enqueue_dma source(%arg5 : memref<5000xi32, #tpu.memory_space<hbm>>) target(%dma_start3A_17 : memref<5000xi32, #tpu.memory_space<vmem>>) target_semaphore(%arg26 : memref<!tpu.dma_semaphore, #tpu.memory_space<semaphore_mem>>)
      %dma_start3A_18 = arith.constant 0 : i32
      %dma_start3A_19 = tpu.memref_slice %arg15[%dma_start3A_18] : memref<5120xi32, #tpu.memory_space<vmem>> -> memref<5000xi32, #tpu.memory_space<vmem>>
      %dma_start3A_20 = arith.constant 0 : i32
      %dma_start3A_21 = tpu.memref_slice %arg15[%dma_start3A_20] : memref<5120xi32, #tpu.memory_space<vmem>> -> memref<5000xi32, #tpu.memory_space<vmem>>
      tpu.enqueue_dma source(%arg6 : memref<5000xi32, #tpu.memory_space<hbm>>) target(%dma_start3A_21 : memref<5000xi32, #tpu.memory_space<vmem>>) target_semaphore(%arg26 : memref<!tpu.dma_semaphore, #tpu.memory_space<semaphore_mem>>)
      %broadcast_in_dim3A = arith.constant 0.000000e+00 : f32
      %broadcast_in_dim3A_22 = vector.broadcast %broadcast_in_dim3A : f32 to vector<16xf32>
      %broadcast_in_dim3A_23 = arith.constant 0 : i32
      %broadcast_in_dim3A_24 = vector.broadcast %broadcast_in_dim3A_23 : i32 to vector<16xi32>
      %swap3A = arith.constant 0 : index
      %swap3A_25 = tpu.vector_load %arg16[%swap3A] {strides = array<i32>} : memref<112xf32, #tpu.memory_space<vmem>>, vector<16xf32>,
      tpu.vector_store %arg16[%swap3A], %broadcast_in_dim3A_22 {strides = array<i32>} : memref<112xf32, #tpu.memory_space<vmem>>, vector<16xf32>,
      %swap3A_26 = arith.constant 0 : index
      %swap3A_27 = tpu.vector_load %arg17[%swap3A_26] {strides = array<i32>} : memref<112xf32, #tpu.memory_space<vmem>>, vector<16xf32>,
      tpu.vector_store %arg17[%swap3A_26], %broadcast_in_dim3A_22 {strides = array<i32>} : memref<112xf32, #tpu.memory_space<vmem>>, vector<16xf32>,
      %swap3A_28 = arith.constant 0 : index
      %swap3A_29 = tpu.vector_load %arg18[%swap3A_28] {strides = array<i32>} : memref<112xf32, #tpu.memory_space<vmem>>, vector<16xf32>,
      tpu.vector_store %arg18[%swap3A_28], %broadcast_in_dim3A_22 {strides = array<i32>} : memref<112xf32, #tpu.memory_space<vmem>>, vector<16xf32>,
      %swap3A_30 = arith.constant 0 : index
      %swap3A_31 = tpu.vector_load %arg19[%swap3A_30] {strides = array<i32>} : memref<112xf32, #tpu.memory_space<vmem>>, vector<16xf32>,
      tpu.vector_store %arg19[%swap3A_30], %broadcast_in_dim3A_22 {strides = array<i32>} : memref<112xf32, #tpu.memory_space<vmem>>, vector<16xf32>,
      %swap3A_32 = arith.constant 0 : index
      %swap3A_33 = tpu.vector_load %arg20[%swap3A_32] {strides = array<i32>} : memref<112xf32, #tpu.memory_space<vmem>>, vector<16xf32>,
      tpu.vector_store %arg20[%swap3A_32], %broadcast_in_dim3A_22 {strides = array<i32>} : memref<112xf32, #tpu.memory_space<vmem>>, vector<16xf32>,
      %swap3A_34 = arith.constant 0 : index
      %swap3A_35 = tpu.vector_load %arg21[%swap3A_34] {strides = array<i32>} : memref<112xf32, #tpu.memory_space<vmem>>, vector<16xf32>,
      tpu.vector_store %arg21[%swap3A_34], %broadcast_in_dim3A_22 {strides = array<i32>} : memref<112xf32, #tpu.memory_space<vmem>>, vector<16xf32>,
      %swap3A_36 = arith.constant 0 : index
      %swap3A_37 = tpu.vector_load %arg22[%swap3A_36] {strides = array<i32>} : memref<112xf32, #tpu.memory_space<vmem>>, vector<16xf32>,
      tpu.vector_store %arg22[%swap3A_36], %broadcast_in_dim3A_22 {strides = array<i32>} : memref<112xf32, #tpu.memory_space<vmem>>, vector<16xf32>,
      %swap3A_38 = arith.constant 0 : index
      %swap3A_39 = tpu.vector_load %arg23[%swap3A_38] {strides = array<i32>} : memref<112xi32, #tpu.memory_space<vmem>>, vector<16xi32>,
      tpu.vector_store %arg23[%swap3A_38], %broadcast_in_dim3A_24 {strides = array<i32>} : memref<112xi32, #tpu.memory_space<vmem>>, vector<16xi32>,
      %swap3A_40 = arith.constant 0 : index
      %swap3A_41 = tpu.vector_load %arg24[%swap3A_40] {strides = array<i32>} : memref<112xi32, #tpu.memory_space<vmem>>, vector<16xi32>,
      tpu.vector_store %arg24[%swap3A_40], %broadcast_in_dim3A_24 {strides = array<i32>} : memref<112xi32, #tpu.memory_space<vmem>>, vector<16xi32>,
      %swap3A_42 = arith.constant 16 : index
      %swap3A_43 = tpu.vector_load %arg16[%swap3A_42] {strides = array<i32>} : memref<112xf32, #tpu.memory_space<vmem>>, vector<16xf32>,
      tpu.vector_store %arg16[%swap3A_42], %broadcast_in_dim3A_22 {strides = array<i32>} : memref<112xf32, #tpu.memory_space<vmem>>, vector<16xf32>,
      %swap3A_44 = arith.constant 16 : index
      %swap3A_45 = tpu.vector_load %arg17[%swap3A_44] {strides = array<i32>} : memref<112xf32, #tpu.memory_space<vmem>>, vector<16xf32>,
      tpu.vector_store %arg17[%swap3A_44], %broadcast_in_dim3A_22 {strides = array<i32>} : memref<112xf32, #tpu.memory_space<vmem>>, vector<16xf32>,
      %swap3A_46 = arith.constant 16 : index
      %swap3A_47 = tpu.vector_load %arg18[%swap3A_46] {strides = array<i32>} : memref<112xf32, #tpu.memory_space<vmem>>, vector<16xf32>,
      tpu.vector_store %arg18[%swap3A_46], %broadcast_in_dim3A_22 {strides = array<i32>} : memref<112xf32, #tpu.memory_space<vmem>>, vector<16xf32>,
      %swap3A_48 = arith.constant 16 : index
      %swap3A_49 = tpu.vector_load %arg19[%swap3A_48] {strides = array<i32>} : memref<112xf32, #tpu.memory_space<vmem>>, vector<16xf32>,
      tpu.vector_store %arg19[%swap3A_48], %broadcast_in_dim3A_22 {strides = array<i32>} : memref<112xf32, #tpu.memory_space<vmem>>, vector<16xf32>,
      %swap3A_50 = arith.constant 16 : index
      %swap3A_51 = tpu.vector_load %arg20[%swap3A_50] {strides = array<i32>} : memref<112xf32, #tpu.memory_space<vmem>>, vector<16xf32>,
      tpu.vector_store %arg20[%swap3A_50], %broadcast_in_dim3A_22 {strides = array<i32>} : memref<112xf32, #tpu.memory_space<vmem>>, vector<16xf32>,
      %swap3A_52 = arith.constant 16 : index
      %swap3A_53 = tpu.vector_load %arg21[%swap3A_52] {strides = array<i32>} : memref<112xf32, #tpu.memory_space<vmem>>, vector<16xf32>,
      tpu.vector_store %arg21[%swap3A_52], %broadcast_in_dim3A_22 {strides = array<i32>} : memref<112xf32, #tpu.memory_space<vmem>>, vector<16xf32>,
      %swap3A_54 = arith.constant 16 : index
      %swap3A_55 = tpu.vector_load %arg22[%swap3A_54] {strides = array<i32>} : memref<112xf32, #tpu.memory_space<vmem>>, vector<16xf32>,
      tpu.vector_store %arg22[%swap3A_54], %broadcast_in_dim3A_22 {strides = array<i32>} : memref<112xf32, #tpu.memory_space<vmem>>, vector<16xf32>,
      %swap3A_56 = arith.constant 16 : index
      %swap3A_57 = tpu.vector_load %arg23[%swap3A_56] {strides = array<i32>} : memref<112xi32, #tpu.memory_space<vmem>>, vector<16xi32>,
      tpu.vector_store %arg23[%swap3A_56], %broadcast_in_dim3A_24 {strides = array<i32>} : memref<112xi32, #tpu.memory_space<vmem>>, vector<16xi32>,
      %swap3A_58 = arith.constant 16 : index
      %swap3A_59 = tpu.vector_load %arg24[%swap3A_58] {strides = array<i32>} : memref<112xi32, #tpu.memory_space<vmem>>, vector<16xi32>,
      tpu.vector_store %arg24[%swap3A_58], %broadcast_in_dim3A_24 {strides = array<i32>} : memref<112xi32, #tpu.memory_space<vmem>>, vector<16xi32>,
      %swap3A_60 = arith.constant 32 : index
      %swap3A_61 = tpu.vector_load %arg16[%swap3A_60] {strides = array<i32>} : memref<112xf32, #tpu.memory_space<vmem>>, vector<16xf32>,
      tpu.vector_store %arg16[%swap3A_60], %broadcast_in_dim3A_22 {strides = array<i32>} : memref<112xf32, #tpu.memory_space<vmem>>, vector<16xf32>,
      %swap3A_62 = arith.constant 32 : index
      %swap3A_63 = tpu.vector_load %arg17[%swap3A_62] {strides = array<i32>} : memref<112xf32, #tpu.memory_space<vmem>>, vector<16xf32>,
      tpu.vector_store %arg17[%swap3A_62], %broadcast_in_dim3A_22 {strides = array<i32>} : memref<112xf32, #tpu.memory_space<vmem>>, vector<16xf32>,
      %swap3A_64 = arith.constant 32 : index
      %swap3A_65 = tpu.vector_load %arg18[%swap3A_64] {strides = array<i32>} : memref<112xf32, #tpu.memory_space<vmem>>, vector<16xf32>,
      tpu.vector_store %arg18[%swap3A_64], %broadcast_in_dim3A_22 {strides = array<i32>} : memref<112xf32, #tpu.memory_space<vmem>>, vector<16xf32>,
      %swap3A_66 = arith.constant 32 : index
      %swap3A_67 = tpu.vector_load %arg19[%swap3A_66] {strides = array<i32>} : memref<112xf32, #tpu.memory_space<vmem>>, vector<16xf32>,
      tpu.vector_store %arg19[%swap3A_66], %broadcast_in_dim3A_22 {strides = array<i32>} : memref<112xf32, #tpu.memory_space<vmem>>, vector<16xf32>,
      %swap3A_68 = arith.constant 32 : index
      %swap3A_69 = tpu.vector_load %arg20[%swap3A_68] {strides = array<i32>} : memref<112xf32, #tpu.memory_space<vmem>>, vector<16xf32>,
      tpu.vector_store %arg20[%swap3A_68], %broadcast_in_dim3A_22 {strides = array<i32>} : memref<112xf32, #tpu.memory_space<vmem>>, vector<16xf32>,
      %swap3A_70 = arith.constant 32 : index
      %swap3A_71 = tpu.vector_load %arg21[%swap3A_70] {strides = array<i32>} : memref<112xf32, #tpu.memory_space<vmem>>, vector<16xf32>,
      tpu.vector_store %arg21[%swap3A_70], %broadcast_in_dim3A_22 {strides = array<i32>} : memref<112xf32, #tpu.memory_space<vmem>>, vector<16xf32>,
      %swap3A_72 = arith.constant 32 : index
      %swap3A_73 = tpu.vector_load %arg22[%swap3A_72] {strides = array<i32>} : memref<112xf32, #tpu.memory_space<vmem>>, vector<16xf32>,
      tpu.vector_store %arg22[%swap3A_72], %broadcast_in_dim3A_22 {strides = array<i32>} : memref<112xf32, #tpu.memory_space<vmem>>, vector<16xf32>,
      %swap3A_74 = arith.constant 32 : index
      %swap3A_75 = tpu.vector_load %arg23[%swap3A_74] {strides = array<i32>} : memref<112xi32, #tpu.memory_space<vmem>>, vector<16xi32>,
      tpu.vector_store %arg23[%swap3A_74], %broadcast_in_dim3A_24 {strides = array<i32>} : memref<112xi32, #tpu.memory_space<vmem>>, vector<16xi32>,
      %swap3A_76 = arith.constant 32 : index
      %swap3A_77 = tpu.vector_load %arg24[%swap3A_76] {strides = array<i32>} : memref<112xi32, #tpu.memory_space<vmem>>, vector<16xi32>,
      tpu.vector_store %arg24[%swap3A_76], %broadcast_in_dim3A_24 {strides = array<i32>} : memref<112xi32, #tpu.memory_space<vmem>>, vector<16xi32>,
      %swap3A_78 = arith.constant 48 : index
      %swap3A_79 = tpu.vector_load %arg16[%swap3A_78] {strides = array<i32>} : memref<112xf32, #tpu.memory_space<vmem>>, vector<16xf32>,
      tpu.vector_store %arg16[%swap3A_78], %broadcast_in_dim3A_22 {strides = array<i32>} : memref<112xf32, #tpu.memory_space<vmem>>, vector<16xf32>,
      %swap3A_80 = arith.constant 48 : index
      %swap3A_81 = tpu.vector_load %arg17[%swap3A_80] {strides = array<i32>} : memref<112xf32, #tpu.memory_space<vmem>>, vector<16xf32>,
      tpu.vector_store %arg17[%swap3A_80], %broadcast_in_dim3A_22 {strides = array<i32>} : memref<112xf32, #tpu.memory_space<vmem>>, vector<16xf32>,
      %swap3A_82 = arith.constant 48 : index
      %swap3A_83 = tpu.vector_load %arg18[%swap3A_82] {strides = array<i32>} : memref<112xf32, #tpu.memory_space<vmem>>, vector<16xf32>,
      tpu.vector_store %arg18[%swap3A_82], %broadcast_in_dim3A_22 {strides = array<i32>} : memref<112xf32, #tpu.memory_space<vmem>>, vector<16xf32>,
      %swap3A_84 = arith.constant 48 : index
      %swap3A_85 = tpu.vector_load %arg19[%swap3A_84] {strides = array<i32>} : memref<112xf32, #tpu.memory_space<vmem>>, vector<16xf32>,
      tpu.vector_store %arg19[%swap3A_84], %broadcast_in_dim3A_22 {strides = array<i32>} : memref<112xf32, #tpu.memory_space<vmem>>, vector<16xf32>,
      %swap3A_86 = arith.constant 48 : index
      %swap3A_87 = tpu.vector_load %arg20[%swap3A_86] {strides = array<i32>} : memref<112xf32, #tpu.memory_space<vmem>>, vector<16xf32>,
      tpu.vector_store %arg20[%swap3A_86], %broadcast_in_dim3A_22 {strides = array<i32>} : memref<112xf32, #tpu.memory_space<vmem>>, vector<16xf32>,
      %swap3A_88 = arith.constant 48 : index
      %swap3A_89 = tpu.vector_load %arg21[%swap3A_88] {strides = array<i32>} : memref<112xf32, #tpu.memory_space<vmem>>, vector<16xf32>,
      tpu.vector_store %arg21[%swap3A_88], %broadcast_in_dim3A_22 {strides = array<i32>} : memref<112xf32, #tpu.memory_space<vmem>>, vector<16xf32>,
      %swap3A_90 = arith.constant 48 : index
      %swap3A_91 = tpu.vector_load %arg22[%swap3A_90] {strides = array<i32>} : memref<112xf32, #tpu.memory_space<vmem>>, vector<16xf32>,
      tpu.vector_store %arg22[%swap3A_90], %broadcast_in_dim3A_22 {strides = array<i32>} : memref<112xf32, #tpu.memory_space<vmem>>, vector<16xf32>,
      %swap3A_92 = arith.constant 48 : index
      %swap3A_93 = tpu.vector_load %arg23[%swap3A_92] {strides = array<i32>} : memref<112xi32, #tpu.memory_space<vmem>>, vector<16xi32>,
      tpu.vector_store %arg23[%swap3A_92], %broadcast_in_dim3A_24 {strides = array<i32>} : memref<112xi32, #tpu.memory_space<vmem>>, vector<16xi32>,
      %swap3A_94 = arith.constant 48 : index
      %swap3A_95 = tpu.vector_load %arg24[%swap3A_94] {strides = array<i32>} : memref<112xi32, #tpu.memory_space<vmem>>, vector<16xi32>,
      tpu.vector_store %arg24[%swap3A_94], %broadcast_in_dim3A_24 {strides = array<i32>} : memref<112xi32, #tpu.memory_space<vmem>>, vector<16xi32>,
      %swap3A_96 = arith.constant 64 : index
      %swap3A_97 = tpu.vector_load %arg16[%swap3A_96] {strides = array<i32>} : memref<112xf32, #tpu.memory_space<vmem>>, vector<16xf32>,
      tpu.vector_store %arg16[%swap3A_96], %broadcast_in_dim3A_22 {strides = array<i32>} : memref<112xf32, #tpu.memory_space<vmem>>, vector<16xf32>,
      %swap3A_98 = arith.constant 64 : index
      %swap3A_99 = tpu.vector_load %arg17[%swap3A_98] {strides = array<i32>} : memref<112xf32, #tpu.memory_space<vmem>>, vector<16xf32>,
      tpu.vector_store %arg17[%swap3A_98], %broadcast_in_dim3A_22 {strides = array<i32>} : memref<112xf32, #tpu.memory_space<vmem>>, vector<16xf32>,
      %swap3A_100 = arith.constant 64 : index
      %swap3A_101 = tpu.vector_load %arg18[%swap3A_100] {strides = array<i32>} : memref<112xf32, #tpu.memory_space<vmem>>, vector<16xf32>,
      tpu.vector_store %arg18[%swap3A_100], %broadcast_in_dim3A_22 {strides = array<i32>} : memref<112xf32, #tpu.memory_space<vmem>>, vector<16xf32>,
      %swap3A_102 = arith.constant 64 : index
      %swap3A_103 = tpu.vector_load %arg19[%swap3A_102] {strides = array<i32>} : memref<112xf32, #tpu.memory_space<vmem>>, vector<16xf32>,
      tpu.vector_store %arg19[%swap3A_102], %broadcast_in_dim3A_22 {strides = array<i32>} : memref<112xf32, #tpu.memory_space<vmem>>, vector<16xf32>,
      %swap3A_104 = arith.constant 64 : index
      %swap3A_105 = tpu.vector_load %arg20[%swap3A_104] {strides = array<i32>} : memref<112xf32, #tpu.memory_space<vmem>>, vector<16xf32>,
      tpu.vector_store %arg20[%swap3A_104], %broadcast_in_dim3A_22 {strides = array<i32>} : memref<112xf32, #tpu.memory_space<vmem>>, vector<16xf32>,
      %swap3A_106 = arith.constant 64 : index
      %swap3A_107 = tpu.vector_load %arg21[%swap3A_106] {strides = array<i32>} : memref<112xf32, #tpu.memory_space<vmem>>, vector<16xf32>,
      tpu.vector_store %arg21[%swap3A_106], %broadcast_in_dim3A_22 {strides = array<i32>} : memref<112xf32, #tpu.memory_space<vmem>>, vector<16xf32>,
      %swap3A_108 = arith.constant 64 : index
      %swap3A_109 = tpu.vector_load %arg22[%swap3A_108] {strides = array<i32>} : memref<112xf32, #tpu.memory_space<vmem>>, vector<16xf32>,
      tpu.vector_store %arg22[%swap3A_108], %broadcast_in_dim3A_22 {strides = array<i32>} : memref<112xf32, #tpu.memory_space<vmem>>, vector<16xf32>,
      %swap3A_110 = arith.constant 64 : index
      %swap3A_111 = tpu.vector_load %arg23[%swap3A_110] {strides = array<i32>} : memref<112xi32, #tpu.memory_space<vmem>>, vector<16xi32>,
      tpu.vector_store %arg23[%swap3A_110], %broadcast_in_dim3A_24 {strides = array<i32>} : memref<112xi32, #tpu.memory_space<vmem>>, vector<16xi32>,
      %swap3A_112 = arith.constant 64 : index
      %swap3A_113 = tpu.vector_load %arg24[%swap3A_112] {strides = array<i32>} : memref<112xi32, #tpu.memory_space<vmem>>, vector<16xi32>,
      tpu.vector_store %arg24[%swap3A_112], %broadcast_in_dim3A_24 {strides = array<i32>} : memref<112xi32, #tpu.memory_space<vmem>>, vector<16xi32>,
      %swap3A_114 = arith.constant 80 : index
      %swap3A_115 = tpu.vector_load %arg16[%swap3A_114] {strides = array<i32>} : memref<112xf32, #tpu.memory_space<vmem>>, vector<16xf32>,
      tpu.vector_store %arg16[%swap3A_114], %broadcast_in_dim3A_22 {strides = array<i32>} : memref<112xf32, #tpu.memory_space<vmem>>, vector<16xf32>,
      %swap3A_116 = arith.constant 80 : index
      %swap3A_117 = tpu.vector_load %arg17[%swap3A_116] {strides = array<i32>} : memref<112xf32, #tpu.memory_space<vmem>>, vector<16xf32>,
      tpu.vector_store %arg17[%swap3A_116], %broadcast_in_dim3A_22 {strides = array<i32>} : memref<112xf32, #tpu.memory_space<vmem>>, vector<16xf32>,
      %swap3A_118 = arith.constant 80 : index
      %swap3A_119 = tpu.vector_load %arg18[%swap3A_118] {strides = array<i32>} : memref<112xf32, #tpu.memory_space<vmem>>, vector<16xf32>,
      tpu.vector_store %arg18[%swap3A_118], %broadcast_in_dim3A_22 {strides = array<i32>} : memref<112xf32, #tpu.memory_space<vmem>>, vector<16xf32>,
      %swap3A_120 = arith.constant 80 : index
      %swap3A_121 = tpu.vector_load %arg19[%swap3A_120] {strides = array<i32>} : memref<112xf32, #tpu.memory_space<vmem>>, vector<16xf32>,
      tpu.vector_store %arg19[%swap3A_120], %broadcast_in_dim3A_22 {strides = array<i32>} : memref<112xf32, #tpu.memory_space<vmem>>, vector<16xf32>,
      %swap3A_122 = arith.constant 80 : index
      %swap3A_123 = tpu.vector_load %arg20[%swap3A_122] {strides = array<i32>} : memref<112xf32, #tpu.memory_space<vmem>>, vector<16xf32>,
      tpu.vector_store %arg20[%swap3A_122], %broadcast_in_dim3A_22 {strides = array<i32>} : memref<112xf32, #tpu.memory_space<vmem>>, vector<16xf32>,
      %swap3A_124 = arith.constant 80 : index
      %swap3A_125 = tpu.vector_load %arg21[%swap3A_124] {strides = array<i32>} : memref<112xf32, #tpu.memory_space<vmem>>, vector<16xf32>,
      tpu.vector_store %arg21[%swap3A_124], %broadcast_in_dim3A_22 {strides = array<i32>} : memref<112xf32, #tpu.memory_space<vmem>>, vector<16xf32>,
      %swap3A_126 = arith.constant 80 : index
      %swap3A_127 = tpu.vector_load %arg22[%swap3A_126] {strides = array<i32>} : memref<112xf32, #tpu.memory_space<vmem>>, vector<16xf32>,
      tpu.vector_store %arg22[%swap3A_126], %broadcast_in_dim3A_22 {strides = array<i32>} : memref<112xf32, #tpu.memory_space<vmem>>, vector<16xf32>,
      %swap3A_128 = arith.constant 80 : index
      %swap3A_129 = tpu.vector_load %arg23[%swap3A_128] {strides = array<i32>} : memref<112xi32, #tpu.memory_space<vmem>>, vector<16xi32>,
      tpu.vector_store %arg23[%swap3A_128], %broadcast_in_dim3A_24 {strides = array<i32>} : memref<112xi32, #tpu.memory_space<vmem>>, vector<16xi32>,
      %swap3A_130 = arith.constant 80 : index
      %swap3A_131 = tpu.vector_load %arg24[%swap3A_130] {strides = array<i32>} : memref<112xi32, #tpu.memory_space<vmem>>, vector<16xi32>,
      tpu.vector_store %arg24[%swap3A_130], %broadcast_in_dim3A_24 {strides = array<i32>} : memref<112xi32, #tpu.memory_space<vmem>>, vector<16xi32>,
      %swap3A_132 = arith.constant 96 : index
      %swap3A_133 = tpu.vector_load %arg16[%swap3A_132] {strides = array<i32>} : memref<112xf32, #tpu.memory_space<vmem>>, vector<16xf32>,
      tpu.vector_store %arg16[%swap3A_132], %broadcast_in_dim3A_22 {strides = array<i32>} : memref<112xf32, #tpu.memory_space<vmem>>, vector<16xf32>,
      %swap3A_134 = arith.constant 96 : index
      %swap3A_135 = tpu.vector_load %arg17[%swap3A_134] {strides = array<i32>} : memref<112xf32, #tpu.memory_space<vmem>>, vector<16xf32>,
      tpu.vector_store %arg17[%swap3A_134], %broadcast_in_dim3A_22 {strides = array<i32>} : memref<112xf32, #tpu.memory_space<vmem>>, vector<16xf32>,
      %swap3A_136 = arith.constant 96 : index
      %swap3A_137 = tpu.vector_load %arg18[%swap3A_136] {strides = array<i32>} : memref<112xf32, #tpu.memory_space<vmem>>, vector<16xf32>,
      tpu.vector_store %arg18[%swap3A_136], %broadcast_in_dim3A_22 {strides = array<i32>} : memref<112xf32, #tpu.memory_space<vmem>>, vector<16xf32>,
      %swap3A_138 = arith.constant 96 : index
      %swap3A_139 = tpu.vector_load %arg19[%swap3A_138] {strides = array<i32>} : memref<112xf32, #tpu.memory_space<vmem>>, vector<16xf32>,
      tpu.vector_store %arg19[%swap3A_138], %broadcast_in_dim3A_22 {strides = array<i32>} : memref<112xf32, #tpu.memory_space<vmem>>, vector<16xf32>,
      %swap3A_140 = arith.constant 96 : index
      %swap3A_141 = tpu.vector_load %arg20[%swap3A_140] {strides = array<i32>} : memref<112xf32, #tpu.memory_space<vmem>>, vector<16xf32>,
      tpu.vector_store %arg20[%swap3A_140], %broadcast_in_dim3A_22 {strides = array<i32>} : memref<112xf32, #tpu.memory_space<vmem>>, vector<16xf32>,
      %swap3A_142 = arith.constant 96 : index
      %swap3A_143 = tpu.vector_load %arg21[%swap3A_142] {strides = array<i32>} : memref<112xf32, #tpu.memory_space<vmem>>, vector<16xf32>,
      tpu.vector_store %arg21[%swap3A_142], %broadcast_in_dim3A_22 {strides = array<i32>} : memref<112xf32, #tpu.memory_space<vmem>>, vector<16xf32>,
      %swap3A_144 = arith.constant 96 : index
      %swap3A_145 = tpu.vector_load %arg22[%swap3A_144] {strides = array<i32>} : memref<112xf32, #tpu.memory_space<vmem>>, vector<16xf32>,
      tpu.vector_store %arg22[%swap3A_144], %broadcast_in_dim3A_22 {strides = array<i32>} : memref<112xf32, #tpu.memory_space<vmem>>, vector<16xf32>,
      %swap3A_146 = arith.constant 96 : index
      %swap3A_147 = tpu.vector_load %arg23[%swap3A_146] {strides = array<i32>} : memref<112xi32, #tpu.memory_space<vmem>>, vector<16xi32>,
      tpu.vector_store %arg23[%swap3A_146], %broadcast_in_dim3A_24 {strides = array<i32>} : memref<112xi32, #tpu.memory_space<vmem>>, vector<16xi32>,
      %swap3A_148 = arith.constant 96 : index
      %swap3A_149 = tpu.vector_load %arg24[%swap3A_148] {strides = array<i32>} : memref<112xi32, #tpu.memory_space<vmem>>, vector<16xi32>,
      tpu.vector_store %arg24[%swap3A_148], %broadcast_in_dim3A_24 {strides = array<i32>} : memref<112xi32, #tpu.memory_space<vmem>>, vector<16xi32>,
      %dma_wait3A = arith.constant 0 : i32
      %dma_wait3A_150 = tpu.memref_slice %arg11[%dma_wait3A] : memref<20480xf32, #tpu.memory_space<vmem>> -> memref<20000xf32, #tpu.memory_space<vmem>>
      %dma_wait3A_151 = arith.constant 0 : i32
      %dma_wait3A_152 = tpu.memref_slice %arg11[%dma_wait3A_151] : memref<20480xf32, #tpu.memory_space<vmem>> -> memref<20000xf32, #tpu.memory_space<vmem>>
      tpu.wait_dma2 semaphore(%arg26 : memref<!tpu.dma_semaphore, #tpu.memory_space<semaphore_mem>>) src(%arg2 : memref<20000xf32, #tpu.memory_space<hbm>>) dst(%dma_wait3A_152 : memref<20000xf32, #tpu.memory_space<vmem>>)
      %dma_wait3A_153 = arith.constant 0 : i32
      %dma_wait3A_154 = tpu.memref_slice %arg12[%dma_wait3A_153] : memref<5120xf32, #tpu.memory_space<vmem>> -> memref<5000xf32, #tpu.memory_space<vmem>>
      %dma_wait3A_155 = arith.constant 0 : i32
      %dma_wait3A_156 = tpu.memref_slice %arg12[%dma_wait3A_155] : memref<5120xf32, #tpu.memory_space<vmem>> -> memref<5000xf32, #tpu.memory_space<vmem>>
      tpu.wait_dma2 semaphore(%arg26 : memref<!tpu.dma_semaphore, #tpu.memory_space<semaphore_mem>>) src(%arg3 : memref<5000xf32, #tpu.memory_space<hbm>>) dst(%dma_wait3A_156 : memref<5000xf32, #tpu.memory_space<vmem>>)
      %dma_wait3A_157 = arith.constant 0 : i32
      %dma_wait3A_158 = tpu.memref_slice %arg13[%dma_wait3A_157] : memref<5120xi32, #tpu.memory_space<vmem>> -> memref<5000xi32, #tpu.memory_space<vmem>>
      %dma_wait3A_159 = arith.constant 0 : i32
      %dma_wait3A_160 = tpu.memref_slice %arg13[%dma_wait3A_159] : memref<5120xi32, #tpu.memory_space<vmem>> -> memref<5000xi32, #tpu.memory_space<vmem>>
      tpu.wait_dma2 semaphore(%arg26 : memref<!tpu.dma_semaphore, #tpu.memory_space<semaphore_mem>>) src(%arg4 : memref<5000xi32, #tpu.memory_space<hbm>>) dst(%dma_wait3A_160 : memref<5000xi32, #tpu.memory_space<vmem>>)
      %dma_wait3A_161 = arith.constant 0 : i32
      %dma_wait3A_162 = tpu.memref_slice %arg14[%dma_wait3A_161] : memref<5120xi32, #tpu.memory_space<vmem>> -> memref<5000xi32, #tpu.memory_space<vmem>>
      %dma_wait3A_163 = arith.constant 0 : i32
      %dma_wait3A_164 = tpu.memref_slice %arg14[%dma_wait3A_163] : memref<5120xi32, #tpu.memory_space<vmem>> -> memref<5000xi32, #tpu.memory_space<vmem>>
      tpu.wait_dma2 semaphore(%arg26 : memref<!tpu.dma_semaphore, #tpu.memory_space<semaphore_mem>>) src(%arg5 : memref<5000xi32, #tpu.memory_space<hbm>>) dst(%dma_wait3A_164 : memref<5000xi32, #tpu.memory_space<vmem>>)
      %dma_wait3A_165 = arith.constant 0 : i32
      %dma_wait3A_166 = tpu.memref_slice %arg15[%dma_wait3A_165] : memref<5120xi32, #tpu.memory_space<vmem>> -> memref<5000xi32, #tpu.memory_space<vmem>>
      %dma_wait3A_167 = arith.constant 0 : i32
      %dma_wait3A_168 = tpu.memref_slice %arg15[%dma_wait3A_167] : memref<5120xi32, #tpu.memory_space<vmem>> -> memref<5000xi32, #tpu.memory_space<vmem>>
      tpu.wait_dma2 semaphore(%arg26 : memref<!tpu.dma_semaphore, #tpu.memory_space<semaphore_mem>>) src(%arg6 : memref<5000xi32, #tpu.memory_space<hbm>>) dst(%dma_wait3A_168 : memref<5000xi32, #tpu.memory_space<vmem>>)
      %iota3A = tpu.iota {dimensions = array<i32: 0>} : vector<16xi32>
      %and3A = arith.constant 3 : i32
      %and3A_169 = vector.broadcast %and3A : i32 to vector<16xi32>
      %and3A_170 = arith.andi %iota3A, %and3A_169 : vector<16xi32>
      %get3A = arith.constant 0 : i32
      %get3A_171 = arith.index_cast %get3A : i32 to index
      %get3A_172 = tpu.vector_load %arg15[%get3A_171] {strides = array<i32>} : memref<5120xi32, #tpu.memory_space<vmem>>, vector<16xi32>,
      %slice3A = vector.extract_strided_slice %get3A_172 {offsets = [0], sizes = [1], strides = [1]} : vector<16xi32> to vector<1xi32>
      %squeeze3A = vector.extract %slice3A[0] : i32 from vector<1xi32>
      %mul3A_173 = arith.constant 4 : i32
      %mul3A_174 = arith.muli %squeeze3A, %mul3A_173 : i32
      %broadcast_in_dim3A_175 = vector.broadcast %mul3A_174 : i32 to vector<16xi32>
      %add3A_176 = arith.addi %broadcast_in_dim3A_175, %and3A_170 : vector<16xi32>
      %gather3A = tpu.vector_load_idx %arg11[%add3A_176] : memref<20480xf32, #tpu.memory_space<vmem>>[vector<16xi32>], vector<16xf32>,
      %broadcast_in_dim3A_177 = vector.broadcast %squeeze3A : i32 to vector<16xi32>
      %gather3A_178 = tpu.vector_load_idx %arg13[%broadcast_in_dim3A_177] : memref<5120xi32, #tpu.memory_space<vmem>>[vector<16xi32>], vector<16xi32>,
      %slice3A_179 = vector.extract_strided_slice %gather3A_178 {offsets = [0], sizes = [1], strides = [1]} : vector<16xi32> to vector<1xi32>
      %squeeze3A_180 = vector.extract %slice3A_179[0] : i32 from vector<1xi32>
      %while3A = arith.constant 0 : i32
      %while3A_181 = arith.constant 0 : i32
      %while3A_182:5 = scf.while (%while3A_368 = %while3A, %while3A_369 = %while3A_181, %while3A_370 = %squeeze3A, %while3A_371 = %gather3A, %while3A_372 = %squeeze3A_180) : (i32, i32, i32, vector<16xf32>, i32) -> (i32, i32, i32, vector<16xf32>, i32) {
        %lt3A_373 = arith.constant 5000 : i32
        %lt3A_374 = arith.cmpi slt, %while3A_368, %lt3A_373 : i32
        %lt3A_375 = arith.constant 100 : i32
        %lt3A_376 = arith.cmpi slt, %while3A_369, %lt3A_375 : i32
        %and3A_377 = arith.andi %lt3A_374, %lt3A_376 : i1
        scf.condition(%and3A_377) %while3A_368, %while3A_369, %while3A_370, %while3A_371, %while3A_372 : i32, i32, i32, vector<16xf32>, i32
      } do {
      ^bb0(%while3A_368: i32, %while3A_369: i32, %while3A_370: i32, %while3A_371: vector<16xf32>, %while3A_372: i32):
        %add3A_373 = arith.constant 1 : i32
        %add3A_374 = arith.addi %while3A_368, %add3A_373 : i32
        %min3A = arith.constant 4999 : i32
        %min3A_375 = arith.minsi %add3A_374, %min3A : i32
        %get3A_376 = arith.index_cast %min3A_375 : i32 to index
        %get3A_377 = tpu.vector_load %arg15[%get3A_376] {strides = array<i32>} : memref<5120xi32, #tpu.memory_space<vmem>>, vector<16xi32>,
        %slice3A_378 = vector.extract_strided_slice %get3A_377 {offsets = [0], sizes = [1], strides = [1]} : vector<16xi32> to vector<1xi32>
        %squeeze3A_379 = vector.extract %slice3A_378[0] : i32 from vector<1xi32>
        %mul3A_380 = arith.constant 4 : i32
        %mul3A_381 = arith.muli %squeeze3A_379, %mul3A_380 : i32
        %broadcast_in_dim3A_382 = vector.broadcast %mul3A_381 : i32 to vector<16xi32>
        %add3A_383 = arith.addi %broadcast_in_dim3A_382, %and3A_170 : vector<16xi32>
        %gather3A_384 = tpu.vector_load_idx %arg11[%add3A_383] : memref<20480xf32, #tpu.memory_space<vmem>>[vector<16xi32>], vector<16xf32>,
        %broadcast_in_dim3A_385 = vector.broadcast %squeeze3A_379 : i32 to vector<16xi32>
        %gather3A_386 = tpu.vector_load_idx %arg13[%broadcast_in_dim3A_385] : memref<5120xi32, #tpu.memory_space<vmem>>[vector<16xi32>], vector<16xi32>,
        %slice3A_387 = vector.extract_strided_slice %gather3A_386 {offsets = [0], sizes = [1], strides = [1]} : vector<16xi32> to vector<1xi32>
        %squeeze3A_388 = vector.extract %slice3A_387[0] : i32 from vector<1xi32>
        %convert_element_type3A_389 = arith.sitofp %while3A_372 : i32 to f32
        %mul3A_390 = arith.constant 8.020000e+02 : f32
        %mul3A_391 = arith.mulf %convert_element_type3A_389, %mul3A_390 : f32
        %slice3A_392 = vector.extract_strided_slice %while3A_371 {offsets = [0], sizes = [1], strides = [1]} : vector<16xf32> to vector<1xf32>
        %squeeze3A_393 = vector.extract %slice3A_392[0] : f32 from vector<1xf32>
        %add3A_394 = arith.addf %squeeze3A_393, %mul3A_391 : f32
        %slice3A_395 = vector.extract_strided_slice %while3A_371 {offsets = [1], sizes = [1], strides = [1]} : vector<16xf32> to vector<1xf32>
        %squeeze3A_396 = vector.extract %slice3A_395[0] : f32 from vector<1xf32>
        %add3A_397 = arith.addf %squeeze3A_396, %mul3A_391 : f32
        %slice3A_398 = vector.extract_strided_slice %while3A_371 {offsets = [2], sizes = [1], strides = [1]} : vector<16xf32> to vector<1xf32>
        %squeeze3A_399 = vector.extract %slice3A_398[0] : f32 from vector<1xf32>
        %add3A_400 = arith.addf %squeeze3A_399, %mul3A_391 : f32
        %slice3A_401 = vector.extract_strided_slice %while3A_371 {offsets = [3], sizes = [1], strides = [1]} : vector<16xf32> to vector<1xf32>
        %squeeze3A_402 = vector.extract %slice3A_401[0] : f32 from vector<1xf32>
        %add3A_403 = arith.addf %squeeze3A_402, %mul3A_391 : f32
        %sub3A = arith.subf %add3A_400, %add3A_394 : f32
        %sub3A_404 = arith.subf %add3A_403, %add3A_397 : f32
        %mul3A_405 = arith.mulf %sub3A, %sub3A_404 : f32
        %broadcast_in_dim3A_406 = arith.constant 0.000000e+00 : f32
        %broadcast_in_dim3A_407 = vector.broadcast %broadcast_in_dim3A_406 : f32 to vector<16xf32>
        %get3A_408 = arith.constant 0 : index
        %get3A_409 = tpu.vector_load %arg18[%get3A_408] {strides = array<i32>} : memref<112xf32, #tpu.memory_space<vmem>>, vector<16xf32>,
        %min3A_410 = vector.broadcast %add3A_400 : f32 to vector<16xf32>
        %min3A_411 = arith.minimumf %min3A_410, %get3A_409 : vector<16xf32>
        %get3A_412 = arith.constant 0 : index
        %get3A_413 = tpu.vector_load %arg16[%get3A_412] {strides = array<i32>} : memref<112xf32, #tpu.memory_space<vmem>>, vector<16xf32>,
        %max3A = vector.broadcast %add3A_394 : f32 to vector<16xf32>
        %max3A_414 = arith.maximumf %max3A, %get3A_413 : vector<16xf32>
        %sub3A_415 = arith.subf %min3A_411, %max3A_414 : vector<16xf32>
        %max3A_416 = arith.constant 0.000000e+00 : f32
        %max3A_417 = vector.broadcast %max3A_416 : f32 to vector<16xf32>
        %max3A_418 = arith.maximumf %sub3A_415, %max3A_417 : vector<16xf32>
        %get3A_419 = arith.constant 0 : index
        %get3A_420 = tpu.vector_load %arg19[%get3A_419] {strides = array<i32>} : memref<112xf32, #tpu.memory_space<vmem>>, vector<16xf32>,
        %min3A_421 = vector.broadcast %add3A_403 : f32 to vector<16xf32>
        %min3A_422 = arith.minimumf %min3A_421, %get3A_420 : vector<16xf32>
        %get3A_423 = arith.constant 0 : index
        %get3A_424 = tpu.vector_load %arg17[%get3A_423] {strides = array<i32>} : memref<112xf32, #tpu.memory_space<vmem>>, vector<16xf32>,
        %max3A_425 = vector.broadcast %add3A_397 : f32 to vector<16xf32>
        %max3A_426 = arith.maximumf %max3A_425, %get3A_424 : vector<16xf32>
        %sub3A_427 = arith.subf %min3A_422, %max3A_426 : vector<16xf32>
        %max3A_428 = arith.constant 0.000000e+00 : f32
        %max3A_429 = vector.broadcast %max3A_428 : f32 to vector<16xf32>
        %max3A_430 = arith.maximumf %sub3A_427, %max3A_429 : vector<16xf32>
        %mul3A_431 = arith.mulf %max3A_418, %max3A_430 : vector<16xf32>
        %get3A_432 = arith.constant 0 : index
        %get3A_433 = tpu.vector_load %arg20[%get3A_432] {strides = array<i32>} : memref<112xf32, #tpu.memory_space<vmem>>, vector<16xf32>,
        %add3A_434 = vector.broadcast %mul3A_405 : f32 to vector<16xf32>
        %add3A_435 = arith.addf %add3A_434, %get3A_433 : vector<16xf32>
        %sub3A_436 = arith.subf %add3A_435, %mul3A_431 : vector<16xf32>
        %add3A_437 = arith.constant 9.99999993E-9 : f32
        %add3A_438 = vector.broadcast %add3A_437 : f32 to vector<16xf32>
        %add3A_439 = arith.addf %sub3A_436, %add3A_438 : vector<16xf32>
        %mul3A_440 = arith.constant 5.000000e-01 : f32
        %mul3A_441 = vector.broadcast %mul3A_440 : f32 to vector<16xf32>
        %mul3A_442 = arith.mulf %mul3A_441, %add3A_439 : vector<16xf32>
        %sub3A_443 = arith.subf %mul3A_431, %mul3A_442 : vector<16xf32>
        %max3A_444 = arith.maximumf %broadcast_in_dim3A_407, %sub3A_443 : vector<16xf32>
        %get3A_445 = arith.constant 16 : index
        %get3A_446 = tpu.vector_load %arg18[%get3A_445] {strides = array<i32>} : memref<112xf32, #tpu.memory_space<vmem>>, vector<16xf32>,
        %min3A_447 = vector.broadcast %add3A_400 : f32 to vector<16xf32>
        %min3A_448 = arith.minimumf %min3A_447, %get3A_446 : vector<16xf32>
        %get3A_449 = arith.constant 16 : index
        %get3A_450 = tpu.vector_load %arg16[%get3A_449] {strides = array<i32>} : memref<112xf32, #tpu.memory_space<vmem>>, vector<16xf32>,
        %max3A_451 = vector.broadcast %add3A_394 : f32 to vector<16xf32>
        %max3A_452 = arith.maximumf %max3A_451, %get3A_450 : vector<16xf32>
        %sub3A_453 = arith.subf %min3A_448, %max3A_452 : vector<16xf32>
        %max3A_454 = arith.constant 0.000000e+00 : f32
        %max3A_455 = vector.broadcast %max3A_454 : f32 to vector<16xf32>
        %max3A_456 = arith.maximumf %sub3A_453, %max3A_455 : vector<16xf32>
        %get3A_457 = arith.constant 16 : index
        %get3A_458 = tpu.vector_load %arg19[%get3A_457] {strides = array<i32>} : memref<112xf32, #tpu.memory_space<vmem>>, vector<16xf32>,
        %min3A_459 = vector.broadcast %add3A_403 : f32 to vector<16xf32>
        %min3A_460 = arith.minimumf %min3A_459, %get3A_458 : vector<16xf32>
        %get3A_461 = arith.constant 16 : index
        %get3A_462 = tpu.vector_load %arg17[%get3A_461] {strides = array<i32>} : memref<112xf32, #tpu.memory_space<vmem>>, vector<16xf32>,
        %max3A_463 = vector.broadcast %add3A_397 : f32 to vector<16xf32>
        %max3A_464 = arith.maximumf %max3A_463, %get3A_462 : vector<16xf32>
        %sub3A_465 = arith.subf %min3A_460, %max3A_464 : vector<16xf32>
        %max3A_466 = arith.constant 0.000000e+00 : f32
        %max3A_467 = vector.broadcast %max3A_466 : f32 to vector<16xf32>
        %max3A_468 = arith.maximumf %sub3A_465, %max3A_467 : vector<16xf32>
        %mul3A_469 = arith.mulf %max3A_456, %max3A_468 : vector<16xf32>
        %get3A_470 = arith.constant 16 : index
        %get3A_471 = tpu.vector_load %arg20[%get3A_470] {strides = array<i32>} : memref<112xf32, #tpu.memory_space<vmem>>, vector<16xf32>,
        %add3A_472 = vector.broadcast %mul3A_405 : f32 to vector<16xf32>
        %add3A_473 = arith.addf %add3A_472, %get3A_471 : vector<16xf32>
        %sub3A_474 = arith.subf %add3A_473, %mul3A_469 : vector<16xf32>
        %add3A_475 = arith.constant 9.99999993E-9 : f32
        %add3A_476 = vector.broadcast %add3A_475 : f32 to vector<16xf32>
        %add3A_477 = arith.addf %sub3A_474, %add3A_476 : vector<16xf32>
        %mul3A_478 = arith.constant 5.000000e-01 : f32
        %mul3A_479 = vector.broadcast %mul3A_478 : f32 to vector<16xf32>
        %mul3A_480 = arith.mulf %mul3A_479, %add3A_477 : vector<16xf32>
        %sub3A_481 = arith.subf %mul3A_469, %mul3A_480 : vector<16xf32>
        %max3A_482 = arith.maximumf %max3A_444, %sub3A_481 : vector<16xf32>
        %get3A_483 = arith.constant 32 : index
        %get3A_484 = tpu.vector_load %arg18[%get3A_483] {strides = array<i32>} : memref<112xf32, #tpu.memory_space<vmem>>, vector<16xf32>,
        %min3A_485 = vector.broadcast %add3A_400 : f32 to vector<16xf32>
        %min3A_486 = arith.minimumf %min3A_485, %get3A_484 : vector<16xf32>
        %get3A_487 = arith.constant 32 : index
        %get3A_488 = tpu.vector_load %arg16[%get3A_487] {strides = array<i32>} : memref<112xf32, #tpu.memory_space<vmem>>, vector<16xf32>,
        %max3A_489 = vector.broadcast %add3A_394 : f32 to vector<16xf32>
        %max3A_490 = arith.maximumf %max3A_489, %get3A_488 : vector<16xf32>
        %sub3A_491 = arith.subf %min3A_486, %max3A_490 : vector<16xf32>
        %max3A_492 = arith.constant 0.000000e+00 : f32
        %max3A_493 = vector.broadcast %max3A_492 : f32 to vector<16xf32>
        %max3A_494 = arith.maximumf %sub3A_491, %max3A_493 : vector<16xf32>
        %get3A_495 = arith.constant 32 : index
        %get3A_496 = tpu.vector_load %arg19[%get3A_495] {strides = array<i32>} : memref<112xf32, #tpu.memory_space<vmem>>, vector<16xf32>,
        %min3A_497 = vector.broadcast %add3A_403 : f32 to vector<16xf32>
        %min3A_498 = arith.minimumf %min3A_497, %get3A_496 : vector<16xf32>
        %get3A_499 = arith.constant 32 : index
        %get3A_500 = tpu.vector_load %arg17[%get3A_499] {strides = array<i32>} : memref<112xf32, #tpu.memory_space<vmem>>, vector<16xf32>,
        %max3A_501 = vector.broadcast %add3A_397 : f32 to vector<16xf32>
        %max3A_502 = arith.maximumf %max3A_501, %get3A_500 : vector<16xf32>
        %sub3A_503 = arith.subf %min3A_498, %max3A_502 : vector<16xf32>
        %max3A_504 = arith.constant 0.000000e+00 : f32
        %max3A_505 = vector.broadcast %max3A_504 : f32 to vector<16xf32>
        %max3A_506 = arith.maximumf %sub3A_503, %max3A_505 : vector<16xf32>
        %mul3A_507 = arith.mulf %max3A_494, %max3A_506 : vector<16xf32>
        %get3A_508 = arith.constant 32 : index
        %get3A_509 = tpu.vector_load %arg20[%get3A_508] {strides = array<i32>} : memref<112xf32, #tpu.memory_space<vmem>>, vector<16xf32>,
        %add3A_510 = vector.broadcast %mul3A_405 : f32 to vector<16xf32>
        %add3A_511 = arith.addf %add3A_510, %get3A_509 : vector<16xf32>
        %sub3A_512 = arith.subf %add3A_511, %mul3A_507 : vector<16xf32>
        %add3A_513 = arith.constant 9.99999993E-9 : f32
        %add3A_514 = vector.broadcast %add3A_513 : f32 to vector<16xf32>
        %add3A_515 = arith.addf %sub3A_512, %add3A_514 : vector<16xf32>
        %mul3A_516 = arith.constant 5.000000e-01 : f32
        %mul3A_517 = vector.broadcast %mul3A_516 : f32 to vector<16xf32>
        %mul3A_518 = arith.mulf %mul3A_517, %add3A_515 : vector<16xf32>
        %sub3A_519 = arith.subf %mul3A_507, %mul3A_518 : vector<16xf32>
        %max3A_520 = arith.maximumf %max3A_482, %sub3A_519 : vector<16xf32>
        %get3A_521 = arith.constant 48 : index
        %get3A_522 = tpu.vector_load %arg18[%get3A_521] {strides = array<i32>} : memref<112xf32, #tpu.memory_space<vmem>>, vector<16xf32>,
        %min3A_523 = vector.broadcast %add3A_400 : f32 to vector<16xf32>
        %min3A_524 = arith.minimumf %min3A_523, %get3A_522 : vector<16xf32>
        %get3A_525 = arith.constant 48 : index
        %get3A_526 = tpu.vector_load %arg16[%get3A_525] {strides = array<i32>} : memref<112xf32, #tpu.memory_space<vmem>>, vector<16xf32>,
        %max3A_527 = vector.broadcast %add3A_394 : f32 to vector<16xf32>
        %max3A_528 = arith.maximumf %max3A_527, %get3A_526 : vector<16xf32>
        %sub3A_529 = arith.subf %min3A_524, %max3A_528 : vector<16xf32>
        %max3A_530 = arith.constant 0.000000e+00 : f32
        %max3A_531 = vector.broadcast %max3A_530 : f32 to vector<16xf32>
        %max3A_532 = arith.maximumf %sub3A_529, %max3A_531 : vector<16xf32>
        %get3A_533 = arith.constant 48 : index
        %get3A_534 = tpu.vector_load %arg19[%get3A_533] {strides = array<i32>} : memref<112xf32, #tpu.memory_space<vmem>>, vector<16xf32>,
        %min3A_535 = vector.broadcast %add3A_403 : f32 to vector<16xf32>
        %min3A_536 = arith.minimumf %min3A_535, %get3A_534 : vector<16xf32>
        %get3A_537 = arith.constant 48 : index
        %get3A_538 = tpu.vector_load %arg17[%get3A_537] {strides = array<i32>} : memref<112xf32, #tpu.memory_space<vmem>>, vector<16xf32>,
        %max3A_539 = vector.broadcast %add3A_397 : f32 to vector<16xf32>
        %max3A_540 = arith.maximumf %max3A_539, %get3A_538 : vector<16xf32>
        %sub3A_541 = arith.subf %min3A_536, %max3A_540 : vector<16xf32>
        %max3A_542 = arith.constant 0.000000e+00 : f32
        %max3A_543 = vector.broadcast %max3A_542 : f32 to vector<16xf32>
        %max3A_544 = arith.maximumf %sub3A_541, %max3A_543 : vector<16xf32>
        %mul3A_545 = arith.mulf %max3A_532, %max3A_544 : vector<16xf32>
        %get3A_546 = arith.constant 48 : index
        %get3A_547 = tpu.vector_load %arg20[%get3A_546] {strides = array<i32>} : memref<112xf32, #tpu.memory_space<vmem>>, vector<16xf32>,
        %add3A_548 = vector.broadcast %mul3A_405 : f32 to vector<16xf32>
        %add3A_549 = arith.addf %add3A_548, %get3A_547 : vector<16xf32>
        %sub3A_550 = arith.subf %add3A_549, %mul3A_545 : vector<16xf32>
        %add3A_551 = arith.constant 9.99999993E-9 : f32
        %add3A_552 = vector.broadcast %add3A_551 : f32 to vector<16xf32>
        %add3A_553 = arith.addf %sub3A_550, %add3A_552 : vector<16xf32>
        %mul3A_554 = arith.constant 5.000000e-01 : f32
        %mul3A_555 = vector.broadcast %mul3A_554 : f32 to vector<16xf32>
        %mul3A_556 = arith.mulf %mul3A_555, %add3A_553 : vector<16xf32>
        %sub3A_557 = arith.subf %mul3A_545, %mul3A_556 : vector<16xf32>
        %max3A_558 = arith.maximumf %max3A_520, %sub3A_557 : vector<16xf32>
        %get3A_559 = arith.constant 64 : index
        %get3A_560 = tpu.vector_load %arg18[%get3A_559] {strides = array<i32>} : memref<112xf32, #tpu.memory_space<vmem>>, vector<16xf32>,
        %min3A_561 = vector.broadcast %add3A_400 : f32 to vector<16xf32>
        %min3A_562 = arith.minimumf %min3A_561, %get3A_560 : vector<16xf32>
        %get3A_563 = arith.constant 64 : index
        %get3A_564 = tpu.vector_load %arg16[%get3A_563] {strides = array<i32>} : memref<112xf32, #tpu.memory_space<vmem>>, vector<16xf32>,
        %max3A_565 = vector.broadcast %add3A_394 : f32 to vector<16xf32>
        %max3A_566 = arith.maximumf %max3A_565, %get3A_564 : vector<16xf32>
        %sub3A_567 = arith.subf %min3A_562, %max3A_566 : vector<16xf32>
        %max3A_568 = arith.constant 0.000000e+00 : f32
        %max3A_569 = vector.broadcast %max3A_568 : f32 to vector<16xf32>
        %max3A_570 = arith.maximumf %sub3A_567, %max3A_569 : vector<16xf32>
        %get3A_571 = arith.constant 64 : index
        %get3A_572 = tpu.vector_load %arg19[%get3A_571] {strides = array<i32>} : memref<112xf32, #tpu.memory_space<vmem>>, vector<16xf32>,
        %min3A_573 = vector.broadcast %add3A_403 : f32 to vector<16xf32>
        %min3A_574 = arith.minimumf %min3A_573, %get3A_572 : vector<16xf32>
        %get3A_575 = arith.constant 64 : index
        %get3A_576 = tpu.vector_load %arg17[%get3A_575] {strides = array<i32>} : memref<112xf32, #tpu.memory_space<vmem>>, vector<16xf32>,
        %max3A_577 = vector.broadcast %add3A_397 : f32 to vector<16xf32>
        %max3A_578 = arith.maximumf %max3A_577, %get3A_576 : vector<16xf32>
        %sub3A_579 = arith.subf %min3A_574, %max3A_578 : vector<16xf32>
        %max3A_580 = arith.constant 0.000000e+00 : f32
        %max3A_581 = vector.broadcast %max3A_580 : f32 to vector<16xf32>
        %max3A_582 = arith.maximumf %sub3A_579, %max3A_581 : vector<16xf32>
        %mul3A_583 = arith.mulf %max3A_570, %max3A_582 : vector<16xf32>
        %get3A_584 = arith.constant 64 : index
        %get3A_585 = tpu.vector_load %arg20[%get3A_584] {strides = array<i32>} : memref<112xf32, #tpu.memory_space<vmem>>, vector<16xf32>,
        %add3A_586 = vector.broadcast %mul3A_405 : f32 to vector<16xf32>
        %add3A_587 = arith.addf %add3A_586, %get3A_585 : vector<16xf32>
        %sub3A_588 = arith.subf %add3A_587, %mul3A_583 : vector<16xf32>
        %add3A_589 = arith.constant 9.99999993E-9 : f32
        %add3A_590 = vector.broadcast %add3A_589 : f32 to vector<16xf32>
        %add3A_591 = arith.addf %sub3A_588, %add3A_590 : vector<16xf32>
        %mul3A_592 = arith.constant 5.000000e-01 : f32
        %mul3A_593 = vector.broadcast %mul3A_592 : f32 to vector<16xf32>
        %mul3A_594 = arith.mulf %mul3A_593, %add3A_591 : vector<16xf32>
        %sub3A_595 = arith.subf %mul3A_583, %mul3A_594 : vector<16xf32>
        %max3A_596 = arith.maximumf %max3A_558, %sub3A_595 : vector<16xf32>
        %get3A_597 = arith.constant 80 : index
        %get3A_598 = tpu.vector_load %arg18[%get3A_597] {strides = array<i32>} : memref<112xf32, #tpu.memory_space<vmem>>, vector<16xf32>,
        %min3A_599 = vector.broadcast %add3A_400 : f32 to vector<16xf32>
        %min3A_600 = arith.minimumf %min3A_599, %get3A_598 : vector<16xf32>
        %get3A_601 = arith.constant 80 : index
        %get3A_602 = tpu.vector_load %arg16[%get3A_601] {strides = array<i32>} : memref<112xf32, #tpu.memory_space<vmem>>, vector<16xf32>,
        %max3A_603 = vector.broadcast %add3A_394 : f32 to vector<16xf32>
        %max3A_604 = arith.maximumf %max3A_603, %get3A_602 : vector<16xf32>
        %sub3A_605 = arith.subf %min3A_600, %max3A_604 : vector<16xf32>
        %max3A_606 = arith.constant 0.000000e+00 : f32
        %max3A_607 = vector.broadcast %max3A_606 : f32 to vector<16xf32>
        %max3A_608 = arith.maximumf %sub3A_605, %max3A_607 : vector<16xf32>
        %get3A_609 = arith.constant 80 : index
        %get3A_610 = tpu.vector_load %arg19[%get3A_609] {strides = array<i32>} : memref<112xf32, #tpu.memory_space<vmem>>, vector<16xf32>,
        %min3A_611 = vector.broadcast %add3A_403 : f32 to vector<16xf32>
        %min3A_612 = arith.minimumf %min3A_611, %get3A_610 : vector<16xf32>
        %get3A_613 = arith.constant 80 : index
        %get3A_614 = tpu.vector_load %arg17[%get3A_613] {strides = array<i32>} : memref<112xf32, #tpu.memory_space<vmem>>, vector<16xf32>,
        %max3A_615 = vector.broadcast %add3A_397 : f32 to vector<16xf32>
        %max3A_616 = arith.maximumf %max3A_615, %get3A_614 : vector<16xf32>
        %sub3A_617 = arith.subf %min3A_612, %max3A_616 : vector<16xf32>
        %max3A_618 = arith.constant 0.000000e+00 : f32
        %max3A_619 = vector.broadcast %max3A_618 : f32 to vector<16xf32>
        %max3A_620 = arith.maximumf %sub3A_617, %max3A_619 : vector<16xf32>
        %mul3A_621 = arith.mulf %max3A_608, %max3A_620 : vector<16xf32>
        %get3A_622 = arith.constant 80 : index
        %get3A_623 = tpu.vector_load %arg20[%get3A_622] {strides = array<i32>} : memref<112xf32, #tpu.memory_space<vmem>>, vector<16xf32>,
        %add3A_624 = vector.broadcast %mul3A_405 : f32 to vector<16xf32>
        %add3A_625 = arith.addf %add3A_624, %get3A_623 : vector<16xf32>
        %sub3A_626 = arith.subf %add3A_625, %mul3A_621 : vector<16xf32>
        %add3A_627 = arith.constant 9.99999993E-9 : f32
        %add3A_628 = vector.broadcast %add3A_627 : f32 to vector<16xf32>
        %add3A_629 = arith.addf %sub3A_626, %add3A_628 : vector<16xf32>
        %mul3A_630 = arith.constant 5.000000e-01 : f32
        %mul3A_631 = vector.broadcast %mul3A_630 : f32 to vector<16xf32>
        %mul3A_632 = arith.mulf %mul3A_631, %add3A_629 : vector<16xf32>
        %sub3A_633 = arith.subf %mul3A_621, %mul3A_632 : vector<16xf32>
        %max3A_634 = arith.maximumf %max3A_596, %sub3A_633 : vector<16xf32>
        %get3A_635 = arith.constant 96 : index
        %get3A_636 = tpu.vector_load %arg18[%get3A_635] {strides = array<i32>} : memref<112xf32, #tpu.memory_space<vmem>>, vector<16xf32>,
        %min3A_637 = vector.broadcast %add3A_400 : f32 to vector<16xf32>
        %min3A_638 = arith.minimumf %min3A_637, %get3A_636 : vector<16xf32>
        %get3A_639 = arith.constant 96 : index
        %get3A_640 = tpu.vector_load %arg16[%get3A_639] {strides = array<i32>} : memref<112xf32, #tpu.memory_space<vmem>>, vector<16xf32>,
        %max3A_641 = vector.broadcast %add3A_394 : f32 to vector<16xf32>
        %max3A_642 = arith.maximumf %max3A_641, %get3A_640 : vector<16xf32>
        %sub3A_643 = arith.subf %min3A_638, %max3A_642 : vector<16xf32>
        %max3A_644 = arith.constant 0.000000e+00 : f32
        %max3A_645 = vector.broadcast %max3A_644 : f32 to vector<16xf32>
        %max3A_646 = arith.maximumf %sub3A_643, %max3A_645 : vector<16xf32>
        %get3A_647 = arith.constant 96 : index
        %get3A_648 = tpu.vector_load %arg19[%get3A_647] {strides = array<i32>} : memref<112xf32, #tpu.memory_space<vmem>>, vector<16xf32>,
        %min3A_649 = vector.broadcast %add3A_403 : f32 to vector<16xf32>
        %min3A_650 = arith.minimumf %min3A_649, %get3A_648 : vector<16xf32>
        %get3A_651 = arith.constant 96 : index
        %get3A_652 = tpu.vector_load %arg17[%get3A_651] {strides = array<i32>} : memref<112xf32, #tpu.memory_space<vmem>>, vector<16xf32>,
        %max3A_653 = vector.broadcast %add3A_397 : f32 to vector<16xf32>
        %max3A_654 = arith.maximumf %max3A_653, %get3A_652 : vector<16xf32>
        %sub3A_655 = arith.subf %min3A_650, %max3A_654 : vector<16xf32>
        %max3A_656 = arith.constant 0.000000e+00 : f32
        %max3A_657 = vector.broadcast %max3A_656 : f32 to vector<16xf32>
        %max3A_658 = arith.maximumf %sub3A_655, %max3A_657 : vector<16xf32>
        %mul3A_659 = arith.mulf %max3A_646, %max3A_658 : vector<16xf32>
        %get3A_660 = arith.constant 96 : index
        %get3A_661 = tpu.vector_load %arg20[%get3A_660] {strides = array<i32>} : memref<112xf32, #tpu.memory_space<vmem>>, vector<16xf32>,
        %add3A_662 = vector.broadcast %mul3A_405 : f32 to vector<16xf32>
        %add3A_663 = arith.addf %add3A_662, %get3A_661 : vector<16xf32>
        %sub3A_664 = arith.subf %add3A_663, %mul3A_659 : vector<16xf32>
        %add3A_665 = arith.constant 9.99999993E-9 : f32
        %add3A_666 = vector.broadcast %add3A_665 : f32 to vector<16xf32>
        %add3A_667 = arith.addf %sub3A_664, %add3A_666 : vector<16xf32>
        %mul3A_668 = arith.constant 5.000000e-01 : f32
        %mul3A_669 = vector.broadcast %mul3A_668 : f32 to vector<16xf32>
        %mul3A_670 = arith.mulf %mul3A_669, %add3A_667 : vector<16xf32>
        %sub3A_671 = arith.subf %mul3A_659, %mul3A_670 : vector<16xf32>
        %max3A_672 = arith.maximumf %max3A_634, %sub3A_671 : vector<16xf32>
        %gt3A = arith.constant 0.000000e+00 : f32
        %gt3A_673 = vector.broadcast %gt3A : f32 to vector<16xf32>
        %gt3A_674 = arith.cmpf ogt, %max3A_672, %gt3A_673 : vector<16xf32>
        %all_reduce_population_count3A = tpu.all_reduce %gt3A_674 {dim = 0 : i64, kind = #tpu.reduction_kind<sum>} : vector<16xi1> -> vector<16xi32>
        %slice3A_675 = vector.extract_strided_slice %all_reduce_population_count3A {offsets = [0], sizes = [1], strides = [1]} : vector<16xi32> to vector<1xi32>
        %squeeze3A_676 = vector.extract %slice3A_675[0] : i32 from vector<1xi32>
        %gt3A_677 = arith.constant 0 : i32
        %gt3A_678 = arith.cmpi sgt, %squeeze3A_676, %gt3A_677 : i32
        %not3A = arith.constant true
        %not3A_679 = arith.xori %gt3A_678, %not3A : i1
        %convert_element_type3A_680 = arith.extui %not3A_679 : i1 to i32
        %cond3A_681 = arith.constant 0 : i32
        %cond3A_682 = arith.cmpi ne, %convert_element_type3A_680, %cond3A_681 : i32
        scf.if %cond3A_682 {
          %broadcast_in_dim3A_688 = vector.broadcast %while3A_369 : i32 to vector<16xi32>
          %iota3A_689 = tpu.iota {dimensions = array<i32: 0>} : vector<16xi32>
          %broadcast_in_dim3A_690 = vector.broadcast %add3A_394 : f32 to vector<16xf32>
          %eq3A_691 = arith.constant 0 : i32
          %eq3A_692 = vector.broadcast %eq3A_691 : i32 to vector<16xi32>
          %eq3A_693 = arith.cmpi eq, %iota3A_689, %eq3A_692 : vector<16xi32>
          tpu.vector_store_idx %arg16[%broadcast_in_dim3A_688], %broadcast_in_dim3A_690 masked %eq3A_693 : memref<112xf32, #tpu.memory_space<vmem>>[vector<16xi32>], vector<16xf32>, vector<16xi1>
          %broadcast_in_dim3A_694 = vector.broadcast %while3A_369 : i32 to vector<16xi32>
          %iota3A_695 = tpu.iota {dimensions = array<i32: 0>} : vector<16xi32>
          %broadcast_in_dim3A_696 = vector.broadcast %add3A_397 : f32 to vector<16xf32>
          %eq3A_697 = arith.constant 0 : i32
          %eq3A_698 = vector.broadcast %eq3A_697 : i32 to vector<16xi32>
          %eq3A_699 = arith.cmpi eq, %iota3A_695, %eq3A_698 : vector<16xi32>
          tpu.vector_store_idx %arg17[%broadcast_in_dim3A_694], %broadcast_in_dim3A_696 masked %eq3A_699 : memref<112xf32, #tpu.memory_space<vmem>>[vector<16xi32>], vector<16xf32>, vector<16xi1>
          %broadcast_in_dim3A_700 = vector.broadcast %while3A_369 : i32 to vector<16xi32>
          %iota3A_701 = tpu.iota {dimensions = array<i32: 0>} : vector<16xi32>
          %broadcast_in_dim3A_702 = vector.broadcast %add3A_400 : f32 to vector<16xf32>
          %eq3A_703 = arith.constant 0 : i32
          %eq3A_704 = vector.broadcast %eq3A_703 : i32 to vector<16xi32>
          %eq3A_705 = arith.cmpi eq, %iota3A_701, %eq3A_704 : vector<16xi32>
          tpu.vector_store_idx %arg18[%broadcast_in_dim3A_700], %broadcast_in_dim3A_702 masked %eq3A_705 : memref<112xf32, #tpu.memory_space<vmem>>[vector<16xi32>], vector<16xf32>, vector<16xi1>
          %broadcast_in_dim3A_706 = vector.broadcast %while3A_369 : i32 to vector<16xi32>
          %iota3A_707 = tpu.iota {dimensions = array<i32: 0>} : vector<16xi32>
          %broadcast_in_dim3A_708 = vector.broadcast %add3A_403 : f32 to vector<16xf32>
          %eq3A_709 = arith.constant 0 : i32
          %eq3A_710 = vector.broadcast %eq3A_709 : i32 to vector<16xi32>
          %eq3A_711 = arith.cmpi eq, %iota3A_707, %eq3A_710 : vector<16xi32>
          tpu.vector_store_idx %arg19[%broadcast_in_dim3A_706], %broadcast_in_dim3A_708 masked %eq3A_711 : memref<112xf32, #tpu.memory_space<vmem>>[vector<16xi32>], vector<16xf32>, vector<16xi1>
          %broadcast_in_dim3A_712 = vector.broadcast %while3A_369 : i32 to vector<16xi32>
          %iota3A_713 = tpu.iota {dimensions = array<i32: 0>} : vector<16xi32>
          %broadcast_in_dim3A_714 = vector.broadcast %mul3A_405 : f32 to vector<16xf32>
          %eq3A_715 = arith.constant 0 : i32
          %eq3A_716 = vector.broadcast %eq3A_715 : i32 to vector<16xi32>
          %eq3A_717 = arith.cmpi eq, %iota3A_713, %eq3A_716 : vector<16xi32>
          tpu.vector_store_idx %arg20[%broadcast_in_dim3A_712], %broadcast_in_dim3A_714 masked %eq3A_717 : memref<112xf32, #tpu.memory_space<vmem>>[vector<16xi32>], vector<16xf32>, vector<16xi1>
          %broadcast_in_dim3A_718 = vector.broadcast %while3A_369 : i32 to vector<16xi32>
          %iota3A_719 = tpu.iota {dimensions = array<i32: 0>} : vector<16xi32>
          %broadcast_in_dim3A_720 = vector.broadcast %while3A_370 : i32 to vector<16xi32>
          %eq3A_721 = arith.constant 0 : i32
          %eq3A_722 = vector.broadcast %eq3A_721 : i32 to vector<16xi32>
          %eq3A_723 = arith.cmpi eq, %iota3A_719, %eq3A_722 : vector<16xi32>
          tpu.vector_store_idx %arg24[%broadcast_in_dim3A_718], %broadcast_in_dim3A_720 masked %eq3A_723 : memref<112xi32, #tpu.memory_space<vmem>>[vector<16xi32>], vector<16xi32>, vector<16xi1>
        } else {
        }
        %add3A_683 = arith.constant 1 : i32
        %add3A_684 = arith.addi %while3A_368, %add3A_683 : i32
        %add3A_685 = arith.constant 1 : i32
        %add3A_686 = arith.addi %while3A_369, %add3A_685 : i32
        %select_n3A_687 = arith.select %gt3A_678, %while3A_369, %add3A_686 : i32
        scf.yield %add3A_684, %select_n3A_687, %squeeze3A_379, %gather3A_384, %squeeze3A_388 : i32, i32, i32, vector<16xf32>, i32
      }
      %get3A_183 = arith.constant 0 : index
      %get3A_184 = tpu.vector_load %arg24[%get3A_183] {strides = array<i32>} : memref<112xi32, #tpu.memory_space<vmem>>, vector<16xi32>,
      %iota3A_185 = tpu.iota {dimensions = array<i32: 0>} : vector<16xi32>
      %add3A_186 = arith.constant 0 : i32
      %add3A_187 = vector.broadcast %add3A_186 : i32 to vector<16xi32>
      %add3A_188 = arith.addi %iota3A_185, %add3A_187 : vector<16xi32>
      %lt3A = vector.broadcast %while3A_182#1 : i32 to vector<16xi32>
      %lt3A_189 = arith.cmpi slt, %add3A_188, %lt3A : vector<16xi32>
      %gather3A_190 = tpu.vector_load_idx %arg12[%get3A_184] : memref<5120xf32, #tpu.memory_space<vmem>>[vector<16xi32>], vector<16xf32>,
      %gather3A_191 = tpu.vector_load_idx %arg13[%get3A_184] : memref<5120xi32, #tpu.memory_space<vmem>>[vector<16xi32>], vector<16xi32>,
      %jit3A = arith.constant 0.000000e+00 : f32
      %broadcast_in_dim3A_192 = vector.broadcast %jit3A : f32 to vector<16xf32>
      %select_n3A = arith.select %lt3A_189, %gather3A_190, %broadcast_in_dim3A_192 : vector<16xi1>, vector<16xf32>
      %swap3A_193 = arith.constant 0 : index
      %swap3A_194 = tpu.vector_load %arg22[%swap3A_193] {strides = array<i32>} : memref<112xf32, #tpu.memory_space<vmem>>, vector<16xf32>,
      tpu.vector_store %arg22[%swap3A_193], %select_n3A {strides = array<i32>} : memref<112xf32, #tpu.memory_space<vmem>>, vector<16xf32>,
      %eq3A_195 = arith.constant 1 : i32
      %eq3A_196 = vector.broadcast %eq3A_195 : i32 to vector<16xi32>
      %eq3A_197 = arith.cmpi eq, %gather3A_191, %eq3A_196 : vector<16xi32>
      %jit3A_198 = arith.constant 0.000000e+00 : f32
      %broadcast_in_dim3A_199 = vector.broadcast %jit3A_198 : f32 to vector<16xf32>
      %select_n3A_200 = arith.select %eq3A_197, %select_n3A, %broadcast_in_dim3A_199 : vector<16xi1>, vector<16xf32>
      %swap3A_201 = arith.constant 0 : index
      %swap3A_202 = tpu.vector_load %arg21[%swap3A_201] {strides = array<i32>} : memref<112xf32, #tpu.memory_space<vmem>>, vector<16xf32>,
      tpu.vector_store %arg21[%swap3A_201], %select_n3A_200 {strides = array<i32>} : memref<112xf32, #tpu.memory_space<vmem>>, vector<16xf32>,
      %gather3A_203 = tpu.vector_load_idx %arg14[%get3A_184] : memref<5120xi32, #tpu.memory_space<vmem>>[vector<16xi32>], vector<16xi32>,
      %swap3A_204 = arith.constant 0 : index
      %swap3A_205 = tpu.vector_load %arg23[%swap3A_204] {strides = array<i32>} : memref<112xi32, #tpu.memory_space<vmem>>, vector<16xi32>,
      tpu.vector_store %arg23[%swap3A_204], %gather3A_203 {strides = array<i32>} : memref<112xi32, #tpu.memory_space<vmem>>, vector<16xi32>,
      %get3A_206 = arith.constant 16 : index
      %get3A_207 = tpu.vector_load %arg24[%get3A_206] {strides = array<i32>} : memref<112xi32, #tpu.memory_space<vmem>>, vector<16xi32>,
      %iota3A_208 = tpu.iota {dimensions = array<i32: 0>} : vector<16xi32>
      %add3A_209 = arith.constant 16 : i32
      %add3A_210 = vector.broadcast %add3A_209 : i32 to vector<16xi32>
      %add3A_211 = arith.addi %iota3A_208, %add3A_210 : vector<16xi32>
      %lt3A_212 = vector.broadcast %while3A_182#1 : i32 to vector<16xi32>
      %lt3A_213 = arith.cmpi slt, %add3A_211, %lt3A_212 : vector<16xi32>
      %gather3A_214 = tpu.vector_load_idx %arg12[%get3A_207] : memref<5120xf32, #tpu.memory_space<vmem>>[vector<16xi32>], vector<16xf32>,
      %gather3A_215 = tpu.vector_load_idx %arg13[%get3A_207] : memref<5120xi32, #tpu.memory_space<vmem>>[vector<16xi32>], vector<16xi32>,
      %jit3A_216 = arith.constant 0.000000e+00 : f32
      %broadcast_in_dim3A_217 = vector.broadcast %jit3A_216 : f32 to vector<16xf32>
      %select_n3A_218 = arith.select %lt3A_213, %gather3A_214, %broadcast_in_dim3A_217 : vector<16xi1>, vector<16xf32>
      %swap3A_219 = arith.constant 16 : index
      %swap3A_220 = tpu.vector_load %arg22[%swap3A_219] {strides = array<i32>} : memref<112xf32, #tpu.memory_space<vmem>>, vector<16xf32>,
      tpu.vector_store %arg22[%swap3A_219], %select_n3A_218 {strides = array<i32>} : memref<112xf32, #tpu.memory_space<vmem>>, vector<16xf32>,
      %eq3A_221 = arith.constant 1 : i32
      %eq3A_222 = vector.broadcast %eq3A_221 : i32 to vector<16xi32>
      %eq3A_223 = arith.cmpi eq, %gather3A_215, %eq3A_222 : vector<16xi32>
      %jit3A_224 = arith.constant 0.000000e+00 : f32
      %broadcast_in_dim3A_225 = vector.broadcast %jit3A_224 : f32 to vector<16xf32>
      %select_n3A_226 = arith.select %eq3A_223, %select_n3A_218, %broadcast_in_dim3A_225 : vector<16xi1>, vector<16xf32>
      %swap3A_227 = arith.constant 16 : index
      %swap3A_228 = tpu.vector_load %arg21[%swap3A_227] {strides = array<i32>} : memref<112xf32, #tpu.memory_space<vmem>>, vector<16xf32>,
      tpu.vector_store %arg21[%swap3A_227], %select_n3A_226 {strides = array<i32>} : memref<112xf32, #tpu.memory_space<vmem>>, vector<16xf32>,
      %gather3A_229 = tpu.vector_load_idx %arg14[%get3A_207] : memref<5120xi32, #tpu.memory_space<vmem>>[vector<16xi32>], vector<16xi32>,
      %swap3A_230 = arith.constant 16 : index
      %swap3A_231 = tpu.vector_load %arg23[%swap3A_230] {strides = array<i32>} : memref<112xi32, #tpu.memory_space<vmem>>, vector<16xi32>,
      tpu.vector_store %arg23[%swap3A_230], %gather3A_229 {strides = array<i32>} : memref<112xi32, #tpu.memory_space<vmem>>, vector<16xi32>,
      %get3A_232 = arith.constant 32 : index
      %get3A_233 = tpu.vector_load %arg24[%get3A_232] {strides = array<i32>} : memref<112xi32, #tpu.memory_space<vmem>>, vector<16xi32>,
      %iota3A_234 = tpu.iota {dimensions = array<i32: 0>} : vector<16xi32>
      %add3A_235 = arith.constant 32 : i32
      %add3A_236 = vector.broadcast %add3A_235 : i32 to vector<16xi32>
      %add3A_237 = arith.addi %iota3A_234, %add3A_236 : vector<16xi32>
      %lt3A_238 = vector.broadcast %while3A_182#1 : i32 to vector<16xi32>
      %lt3A_239 = arith.cmpi slt, %add3A_237, %lt3A_238 : vector<16xi32>
      %gather3A_240 = tpu.vector_load_idx %arg12[%get3A_233] : memref<5120xf32, #tpu.memory_space<vmem>>[vector<16xi32>], vector<16xf32>,
      %gather3A_241 = tpu.vector_load_idx %arg13[%get3A_233] : memref<5120xi32, #tpu.memory_space<vmem>>[vector<16xi32>], vector<16xi32>,
      %jit3A_242 = arith.constant 0.000000e+00 : f32
      %broadcast_in_dim3A_243 = vector.broadcast %jit3A_242 : f32 to vector<16xf32>
      %select_n3A_244 = arith.select %lt3A_239, %gather3A_240, %broadcast_in_dim3A_243 : vector<16xi1>, vector<16xf32>
      %swap3A_245 = arith.constant 32 : index
      %swap3A_246 = tpu.vector_load %arg22[%swap3A_245] {strides = array<i32>} : memref<112xf32, #tpu.memory_space<vmem>>, vector<16xf32>,
      tpu.vector_store %arg22[%swap3A_245], %select_n3A_244 {strides = array<i32>} : memref<112xf32, #tpu.memory_space<vmem>>, vector<16xf32>,
      %eq3A_247 = arith.constant 1 : i32
      %eq3A_248 = vector.broadcast %eq3A_247 : i32 to vector<16xi32>
      %eq3A_249 = arith.cmpi eq, %gather3A_241, %eq3A_248 : vector<16xi32>
      %jit3A_250 = arith.constant 0.000000e+00 : f32
      %broadcast_in_dim3A_251 = vector.broadcast %jit3A_250 : f32 to vector<16xf32>
      %select_n3A_252 = arith.select %eq3A_249, %select_n3A_244, %broadcast_in_dim3A_251 : vector<16xi1>, vector<16xf32>
      %swap3A_253 = arith.constant 32 : index
      %swap3A_254 = tpu.vector_load %arg21[%swap3A_253] {strides = array<i32>} : memref<112xf32, #tpu.memory_space<vmem>>, vector<16xf32>,
      tpu.vector_store %arg21[%swap3A_253], %select_n3A_252 {strides = array<i32>} : memref<112xf32, #tpu.memory_space<vmem>>, vector<16xf32>,
      %gather3A_255 = tpu.vector_load_idx %arg14[%get3A_233] : memref<5120xi32, #tpu.memory_space<vmem>>[vector<16xi32>], vector<16xi32>,
      %swap3A_256 = arith.constant 32 : index
      %swap3A_257 = tpu.vector_load %arg23[%swap3A_256] {strides = array<i32>} : memref<112xi32, #tpu.memory_space<vmem>>, vector<16xi32>,
      tpu.vector_store %arg23[%swap3A_256], %gather3A_255 {strides = array<i32>} : memref<112xi32, #tpu.memory_space<vmem>>, vector<16xi32>,
      %get3A_258 = arith.constant 48 : index
      %get3A_259 = tpu.vector_load %arg24[%get3A_258] {strides = array<i32>} : memref<112xi32, #tpu.memory_space<vmem>>, vector<16xi32>,
      %iota3A_260 = tpu.iota {dimensions = array<i32: 0>} : vector<16xi32>
      %add3A_261 = arith.constant 48 : i32
      %add3A_262 = vector.broadcast %add3A_261 : i32 to vector<16xi32>
      %add3A_263 = arith.addi %iota3A_260, %add3A_262 : vector<16xi32>
      %lt3A_264 = vector.broadcast %while3A_182#1 : i32 to vector<16xi32>
      %lt3A_265 = arith.cmpi slt, %add3A_263, %lt3A_264 : vector<16xi32>
      %gather3A_266 = tpu.vector_load_idx %arg12[%get3A_259] : memref<5120xf32, #tpu.memory_space<vmem>>[vector<16xi32>], vector<16xf32>,
      %gather3A_267 = tpu.vector_load_idx %arg13[%get3A_259] : memref<5120xi32, #tpu.memory_space<vmem>>[vector<16xi32>], vector<16xi32>,
      %jit3A_268 = arith.constant 0.000000e+00 : f32
      %broadcast_in_dim3A_269 = vector.broadcast %jit3A_268 : f32 to vector<16xf32>
      %select_n3A_270 = arith.select %lt3A_265, %gather3A_266, %broadcast_in_dim3A_269 : vector<16xi1>, vector<16xf32>
      %swap3A_271 = arith.constant 48 : index
      %swap3A_272 = tpu.vector_load %arg22[%swap3A_271] {strides = array<i32>} : memref<112xf32, #tpu.memory_space<vmem>>, vector<16xf32>,
      tpu.vector_store %arg22[%swap3A_271], %select_n3A_270 {strides = array<i32>} : memref<112xf32, #tpu.memory_space<vmem>>, vector<16xf32>,
      %eq3A_273 = arith.constant 1 : i32
      %eq3A_274 = vector.broadcast %eq3A_273 : i32 to vector<16xi32>
      %eq3A_275 = arith.cmpi eq, %gather3A_267, %eq3A_274 : vector<16xi32>
      %jit3A_276 = arith.constant 0.000000e+00 : f32
      %broadcast_in_dim3A_277 = vector.broadcast %jit3A_276 : f32 to vector<16xf32>
      %select_n3A_278 = arith.select %eq3A_275, %select_n3A_270, %broadcast_in_dim3A_277 : vector<16xi1>, vector<16xf32>
      %swap3A_279 = arith.constant 48 : index
      %swap3A_280 = tpu.vector_load %arg21[%swap3A_279] {strides = array<i32>} : memref<112xf32, #tpu.memory_space<vmem>>, vector<16xf32>,
      tpu.vector_store %arg21[%swap3A_279], %select_n3A_278 {strides = array<i32>} : memref<112xf32, #tpu.memory_space<vmem>>, vector<16xf32>,
      %gather3A_281 = tpu.vector_load_idx %arg14[%get3A_259] : memref<5120xi32, #tpu.memory_space<vmem>>[vector<16xi32>], vector<16xi32>,
      %swap3A_282 = arith.constant 48 : index
      %swap3A_283 = tpu.vector_load %arg23[%swap3A_282] {strides = array<i32>} : memref<112xi32, #tpu.memory_space<vmem>>, vector<16xi32>,
      tpu.vector_store %arg23[%swap3A_282], %gather3A_281 {strides = array<i32>} : memref<112xi32, #tpu.memory_space<vmem>>, vector<16xi32>,
      %get3A_284 = arith.constant 64 : index
      %get3A_285 = tpu.vector_load %arg24[%get3A_284] {strides = array<i32>} : memref<112xi32, #tpu.memory_space<vmem>>, vector<16xi32>,
      %iota3A_286 = tpu.iota {dimensions = array<i32: 0>} : vector<16xi32>
      %add3A_287 = arith.constant 64 : i32
      %add3A_288 = vector.broadcast %add3A_287 : i32 to vector<16xi32>
      %add3A_289 = arith.addi %iota3A_286, %add3A_288 : vector<16xi32>
      %lt3A_290 = vector.broadcast %while3A_182#1 : i32 to vector<16xi32>
      %lt3A_291 = arith.cmpi slt, %add3A_289, %lt3A_290 : vector<16xi32>
      %gather3A_292 = tpu.vector_load_idx %arg12[%get3A_285] : memref<5120xf32, #tpu.memory_space<vmem>>[vector<16xi32>], vector<16xf32>,
      %gather3A_293 = tpu.vector_load_idx %arg13[%get3A_285] : memref<5120xi32, #tpu.memory_space<vmem>>[vector<16xi32>], vector<16xi32>,
      %jit3A_294 = arith.constant 0.000000e+00 : f32
      %broadcast_in_dim3A_295 = vector.broadcast %jit3A_294 : f32 to vector<16xf32>
      %select_n3A_296 = arith.select %lt3A_291, %gather3A_292, %broadcast_in_dim3A_295 : vector<16xi1>, vector<16xf32>
      %swap3A_297 = arith.constant 64 : index
      %swap3A_298 = tpu.vector_load %arg22[%swap3A_297] {strides = array<i32>} : memref<112xf32, #tpu.memory_space<vmem>>, vector<16xf32>,
      tpu.vector_store %arg22[%swap3A_297], %select_n3A_296 {strides = array<i32>} : memref<112xf32, #tpu.memory_space<vmem>>, vector<16xf32>,
      %eq3A_299 = arith.constant 1 : i32
      %eq3A_300 = vector.broadcast %eq3A_299 : i32 to vector<16xi32>
      %eq3A_301 = arith.cmpi eq, %gather3A_293, %eq3A_300 : vector<16xi32>
      %jit3A_302 = arith.constant 0.000000e+00 : f32
      %broadcast_in_dim3A_303 = vector.broadcast %jit3A_302 : f32 to vector<16xf32>
      %select_n3A_304 = arith.select %eq3A_301, %select_n3A_296, %broadcast_in_dim3A_303 : vector<16xi1>, vector<16xf32>
      %swap3A_305 = arith.constant 64 : index
      %swap3A_306 = tpu.vector_load %arg21[%swap3A_305] {strides = array<i32>} : memref<112xf32, #tpu.memory_space<vmem>>, vector<16xf32>,
      tpu.vector_store %arg21[%swap3A_305], %select_n3A_304 {strides = array<i32>} : memref<112xf32, #tpu.memory_space<vmem>>, vector<16xf32>,
      %gather3A_307 = tpu.vector_load_idx %arg14[%get3A_285] : memref<5120xi32, #tpu.memory_space<vmem>>[vector<16xi32>], vector<16xi32>,
      %swap3A_308 = arith.constant 64 : index
      %swap3A_309 = tpu.vector_load %arg23[%swap3A_308] {strides = array<i32>} : memref<112xi32, #tpu.memory_space<vmem>>, vector<16xi32>,
      tpu.vector_store %arg23[%swap3A_308], %gather3A_307 {strides = array<i32>} : memref<112xi32, #tpu.memory_space<vmem>>, vector<16xi32>,
      %get3A_310 = arith.constant 80 : index
      %get3A_311 = tpu.vector_load %arg24[%get3A_310] {strides = array<i32>} : memref<112xi32, #tpu.memory_space<vmem>>, vector<16xi32>,
      %iota3A_312 = tpu.iota {dimensions = array<i32: 0>} : vector<16xi32>
      %add3A_313 = arith.constant 80 : i32
      %add3A_314 = vector.broadcast %add3A_313 : i32 to vector<16xi32>
      %add3A_315 = arith.addi %iota3A_312, %add3A_314 : vector<16xi32>
      %lt3A_316 = vector.broadcast %while3A_182#1 : i32 to vector<16xi32>
      %lt3A_317 = arith.cmpi slt, %add3A_315, %lt3A_316 : vector<16xi32>
      %gather3A_318 = tpu.vector_load_idx %arg12[%get3A_311] : memref<5120xf32, #tpu.memory_space<vmem>>[vector<16xi32>], vector<16xf32>,
      %gather3A_319 = tpu.vector_load_idx %arg13[%get3A_311] : memref<5120xi32, #tpu.memory_space<vmem>>[vector<16xi32>], vector<16xi32>,
      %jit3A_320 = arith.constant 0.000000e+00 : f32
      %broadcast_in_dim3A_321 = vector.broadcast %jit3A_320 : f32 to vector<16xf32>
      %select_n3A_322 = arith.select %lt3A_317, %gather3A_318, %broadcast_in_dim3A_321 : vector<16xi1>, vector<16xf32>
      %swap3A_323 = arith.constant 80 : index
      %swap3A_324 = tpu.vector_load %arg22[%swap3A_323] {strides = array<i32>} : memref<112xf32, #tpu.memory_space<vmem>>, vector<16xf32>,
      tpu.vector_store %arg22[%swap3A_323], %select_n3A_322 {strides = array<i32>} : memref<112xf32, #tpu.memory_space<vmem>>, vector<16xf32>,
      %eq3A_325 = arith.constant 1 : i32
      %eq3A_326 = vector.broadcast %eq3A_325 : i32 to vector<16xi32>
      %eq3A_327 = arith.cmpi eq, %gather3A_319, %eq3A_326 : vector<16xi32>
      %jit3A_328 = arith.constant 0.000000e+00 : f32
      %broadcast_in_dim3A_329 = vector.broadcast %jit3A_328 : f32 to vector<16xf32>
      %select_n3A_330 = arith.select %eq3A_327, %select_n3A_322, %broadcast_in_dim3A_329 : vector<16xi1>, vector<16xf32>
      %swap3A_331 = arith.constant 80 : index
      %swap3A_332 = tpu.vector_load %arg21[%swap3A_331] {strides = array<i32>} : memref<112xf32, #tpu.memory_space<vmem>>, vector<16xf32>,
      tpu.vector_store %arg21[%swap3A_331], %select_n3A_330 {strides = array<i32>} : memref<112xf32, #tpu.memory_space<vmem>>, vector<16xf32>,
      %gather3A_333 = tpu.vector_load_idx %arg14[%get3A_311] : memref<5120xi32, #tpu.memory_space<vmem>>[vector<16xi32>], vector<16xi32>,
      %swap3A_334 = arith.constant 80 : index
      %swap3A_335 = tpu.vector_load %arg23[%swap3A_334] {strides = array<i32>} : memref<112xi32, #tpu.memory_space<vmem>>, vector<16xi32>,
      tpu.vector_store %arg23[%swap3A_334], %gather3A_333 {strides = array<i32>} : memref<112xi32, #tpu.memory_space<vmem>>, vector<16xi32>,
      %get3A_336 = arith.constant 96 : index
      %get3A_337 = tpu.vector_load %arg24[%get3A_336] {strides = array<i32>} : memref<112xi32, #tpu.memory_space<vmem>>, vector<16xi32>,
      %iota3A_338 = tpu.iota {dimensions = array<i32: 0>} : vector<16xi32>
      %add3A_339 = arith.constant 96 : i32
      %add3A_340 = vector.broadcast %add3A_339 : i32 to vector<16xi32>
      %add3A_341 = arith.addi %iota3A_338, %add3A_340 : vector<16xi32>
      %lt3A_342 = vector.broadcast %while3A_182#1 : i32 to vector<16xi32>
      %lt3A_343 = arith.cmpi slt, %add3A_341, %lt3A_342 : vector<16xi32>
      %gather3A_344 = tpu.vector_load_idx %arg12[%get3A_337] : memref<5120xf32, #tpu.memory_space<vmem>>[vector<16xi32>], vector<16xf32>,
      %gather3A_345 = tpu.vector_load_idx %arg13[%get3A_337] : memref<5120xi32, #tpu.memory_space<vmem>>[vector<16xi32>], vector<16xi32>,
      %jit3A_346 = arith.constant 0.000000e+00 : f32
      %broadcast_in_dim3A_347 = vector.broadcast %jit3A_346 : f32 to vector<16xf32>
      %select_n3A_348 = arith.select %lt3A_343, %gather3A_344, %broadcast_in_dim3A_347 : vector<16xi1>, vector<16xf32>
      %swap3A_349 = arith.constant 96 : index
      %swap3A_350 = tpu.vector_load %arg22[%swap3A_349] {strides = array<i32>} : memref<112xf32, #tpu.memory_space<vmem>>, vector<16xf32>,
      tpu.vector_store %arg22[%swap3A_349], %select_n3A_348 {strides = array<i32>} : memref<112xf32, #tpu.memory_space<vmem>>, vector<16xf32>,
      %eq3A_351 = arith.constant 1 : i32
      %eq3A_352 = vector.broadcast %eq3A_351 : i32 to vector<16xi32>
      %eq3A_353 = arith.cmpi eq, %gather3A_345, %eq3A_352 : vector<16xi32>
      %jit3A_354 = arith.constant 0.000000e+00 : f32
      %broadcast_in_dim3A_355 = vector.broadcast %jit3A_354 : f32 to vector<16xf32>
      %select_n3A_356 = arith.select %eq3A_353, %select_n3A_348, %broadcast_in_dim3A_355 : vector<16xi1>, vector<16xf32>
      %swap3A_357 = arith.constant 96 : index
      %swap3A_358 = tpu.vector_load %arg21[%swap3A_357] {strides = array<i32>} : memref<112xf32, #tpu.memory_space<vmem>>, vector<16xf32>,
      tpu.vector_store %arg21[%swap3A_357], %select_n3A_356 {strides = array<i32>} : memref<112xf32, #tpu.memory_space<vmem>>, vector<16xf32>,
      %gather3A_359 = tpu.vector_load_idx %arg14[%get3A_337] : memref<5120xi32, #tpu.memory_space<vmem>>[vector<16xi32>], vector<16xi32>,
      %swap3A_360 = arith.constant 96 : index
      %swap3A_361 = tpu.vector_load %arg23[%swap3A_360] {strides = array<i32>} : memref<112xi32, #tpu.memory_space<vmem>>, vector<16xi32>,
      tpu.vector_store %arg23[%swap3A_360], %gather3A_359 {strides = array<i32>} : memref<112xi32, #tpu.memory_space<vmem>>, vector<16xi32>,
      %dma_start3A_362 = arith.constant 0 : i32
      %dma_start3A_363 = arith.constant 0 : i32
      %dma_start3A_364 = tpu.memref_slice %arg7[%dma_start3A_362, %dma_start3A_363] : memref<2500x256xf32, #tpu.memory_space<hbm>> -> memref<2500x256xf32, #tpu.memory_space<hbm>>
      tpu.enqueue_indirect_dma source(%dma_start3A_364 : memref<2500x256xf32, #tpu.memory_space<hbm>>) target(%arg25 : memref<112x256xf32, #tpu.memory_space<vmem>>) offsets(%arg23 : memref<112xi32, #tpu.memory_space<vmem>>) semaphore(%arg26 : memref<!tpu.dma_semaphore, #tpu.memory_space<semaphore_mem>>)
      %dma_wait3A_365 = arith.constant 0 : i32
      %dma_wait3A_366 = arith.constant 0 : i32
      %dma_wait3A_367 = tpu.memref_slice %arg7[%dma_wait3A_365, %dma_wait3A_366] : memref<2500x256xf32, #tpu.memory_space<hbm>> -> memref<2500x256xf32, #tpu.memory_space<hbm>>
      tpu.wait_indirect_dma semaphore(%arg26 : memref<!tpu.dma_semaphore, #tpu.memory_space<semaphore_mem>>) src(%dma_wait3A_367 : memref<2500x256xf32, #tpu.memory_space<hbm>>) dst(%arg25 : memref<112x256xf32, #tpu.memory_space<vmem>>)
      "tpu.region"() ({
        %run_scoped3A = tpu.sem_alloc : memref<!tpu.dma_semaphore, #tpu.memory_space<semaphore_mem>>
        tpu.enqueue_dma source(%arg25 : memref<112x256xf32, #tpu.memory_space<vmem>>) target(%arg8 : memref<112x256xf32, #tpu.memory_space<hbm>>) target_semaphore(%run_scoped3A : memref<!tpu.dma_semaphore, #tpu.memory_space<semaphore_mem>>)
        tpu.wait_dma2 semaphore(%run_scoped3A : memref<!tpu.dma_semaphore, #tpu.memory_space<semaphore_mem>>) src(%arg25 : memref<112x256xf32, #tpu.memory_space<vmem>>) dst(%arg8 : memref<112x256xf32, #tpu.memory_space<hbm>>)
        tpu.yield
      }) : () -> ()
      "tpu.region"() ({
        %run_scoped3A = tpu.sem_alloc : memref<!tpu.dma_semaphore, #tpu.memory_space<semaphore_mem>>
        %dma_start3A_368 = arith.constant 0 : i32
        %dma_start3A_369 = tpu.memref_slice %arg21[%dma_start3A_368] : memref<112xf32, #tpu.memory_space<vmem>> -> memref<100xf32, #tpu.memory_space<vmem>>
        %dma_start3A_370 = arith.constant 0 : i32
        %dma_start3A_371 = tpu.memref_slice %arg21[%dma_start3A_370] : memref<112xf32, #tpu.memory_space<vmem>> -> memref<100xf32, #tpu.memory_space<vmem>>
        tpu.enqueue_dma source(%dma_start3A_371 : memref<100xf32, #tpu.memory_space<vmem>>) target(%arg9 : memref<100xf32, #tpu.memory_space<hbm>>) target_semaphore(%run_scoped3A : memref<!tpu.dma_semaphore, #tpu.memory_space<semaphore_mem>>)
        %dma_wait3A_372 = arith.constant 0 : i32
        %dma_wait3A_373 = tpu.memref_slice %arg21[%dma_wait3A_372] : memref<112xf32, #tpu.memory_space<vmem>> -> memref<100xf32, #tpu.memory_space<vmem>>
        %dma_wait3A_374 = arith.constant 0 : i32
        %dma_wait3A_375 = tpu.memref_slice %arg21[%dma_wait3A_374] : memref<112xf32, #tpu.memory_space<vmem>> -> memref<100xf32, #tpu.memory_space<vmem>>
        tpu.wait_dma2 semaphore(%run_scoped3A : memref<!tpu.dma_semaphore, #tpu.memory_space<semaphore_mem>>) src(%dma_wait3A_375 : memref<100xf32, #tpu.memory_space<vmem>>) dst(%arg9 : memref<100xf32, #tpu.memory_space<hbm>>)
        tpu.yield
      }) : () -> ()
      "tpu.region"() ({
        %run_scoped3A = tpu.sem_alloc : memref<!tpu.dma_semaphore, #tpu.memory_space<semaphore_mem>>
        %dma_start3A_368 = arith.constant 0 : i32
        %dma_start3A_369 = tpu.memref_slice %arg22[%dma_start3A_368] : memref<112xf32, #tpu.memory_space<vmem>> -> memref<100xf32, #tpu.memory_space<vmem>>
        %dma_start3A_370 = arith.constant 0 : i32
        %dma_start3A_371 = tpu.memref_slice %arg22[%dma_start3A_370] : memref<112xf32, #tpu.memory_space<vmem>> -> memref<100xf32, #tpu.memory_space<vmem>>
        tpu.enqueue_dma source(%dma_start3A_371 : memref<100xf32, #tpu.memory_space<vmem>>) target(%arg10 : memref<100xf32, #tpu.memory_space<hbm>>) target_semaphore(%run_scoped3A : memref<!tpu.dma_semaphore, #tpu.memory_space<semaphore_mem>>)
        %dma_wait3A_372 = arith.constant 0 : i32
        %dma_wait3A_373 = tpu.memref_slice %arg22[%dma_wait3A_372] : memref<112xf32, #tpu.memory_space<vmem>> -> memref<100xf32, #tpu.memory_space<vmem>>
        %dma_wait3A_374 = arith.constant 0 : i32
        %dma_wait3A_375 = tpu.memref_slice %arg22[%dma_wait3A_374] : memref<112xf32, #tpu.memory_space<vmem>> -> memref<100xf32, #tpu.memory_space<vmem>>
        tpu.wait_dma2 semaphore(%run_scoped3A : memref<!tpu.dma_semaphore, #tpu.memory_space<semaphore_mem>>) src(%dma_wait3A_375 : memref<100xf32, #tpu.memory_space<vmem>>) dst(%arg10 : memref<100xf32, #tpu.memory_space<hbm>>)
        tpu.yield
      }) : () -> ()
    } else {
    }
    return
  }
}

module attributes {stable_mosaic.version = 14 : i64} {
  func.func @body(%arg0: i32, %arg1: memref<112x256xf32, #tpu.memory_space<vmem>>, %arg2: memref<512x117xf32, #tpu.memory_space<vmem>>, %arg3: memref<1x20x1xf32, #tpu.memory_space<vmem>>, %arg4: memref<1x100xf32, #tpu.memory_space<vmem>>, %arg5: memref<20x100x117xf32, #tpu.memory_space<vmem>>, %arg6: memref<5x20x117xf32, #tpu.memory_space<vmem>>, %arg7: memref<112x117xf32, #tpu.memory_space<vmem>>) attributes {dimension_semantics = [#tpu.dimension_semantics<arbitrary>], iteration_bounds = array<i64: 5>, scalar_prefetch = 0 : i64, scratch_operands = 2 : i64, tpu.core_type = #tpu.core_type<tc>, window_params = [{pipeline_mode = #tpu.pipeline_mode<synchronous>, transform_indices = @transform_0, window_bounds = array<i64: 112, 256>}, {pipeline_mode = #tpu.pipeline_mode<synchronous>, transform_indices = @transform_1, window_bounds = array<i64: 512, 117>}, {transform_indices = @transform_2, window_bounds = array<i64: 1, 20, 1>}, {pipeline_mode = #tpu.pipeline_mode<synchronous>, transform_indices = @transform_3, window_bounds = array<i64: 1, 100>}, {transform_indices = @transform_4, window_bounds = array<i64: 20, 100, 117>}]} {
    %eq3A = arith.constant 0 : i32
    %eq3A_0 = arith.cmpi eq, %arg0, %eq3A : i32
    %convert_element_type3A = arith.extui %eq3A_0 : i1 to i32
    %cond3A = arith.constant 0 : i32
    %cond3A_1 = arith.cmpi ne, %convert_element_type3A, %cond3A : i32
    scf.if %cond3A_1 {
      %get3A_35 = arith.constant 0 : index
      %get3A_36 = arith.constant 0 : index
      %get3A_37 = vector.load %arg1[%get3A_35, %get3A_36] : memref<112x256xf32, #tpu.memory_space<vmem>>, vector<112x256xf32>
      %get3A_38 = arith.constant 256 : index
      %get3A_39 = arith.constant 0 : index
      %get3A_40 = vector.load %arg2[%get3A_38, %get3A_39] : memref<512x117xf32, #tpu.memory_space<vmem>>, vector<256x117xf32>
      %dot_general3A = arith.constant dense<0.000000e+00> : vector<112x117xf32>
      %dot_general3A_41 = tpu.matmul %get3A_37, %get3A_40, %dot_general3A {dimension_numbers = #tpu.dot_dimension_numbers<[1], [0], [0], [1], [0, 0, 1, 1], [], []>, transpose_lhs_hint = false} : vector<112x256xf32>, vector<256x117xf32>, vector<112x117xf32> -> vector<112x117xf32>
      %swap3A_42 = arith.constant 0 : index
      %swap3A_43 = arith.constant 0 : index
      %swap3A_44 = vector.load %arg7[%swap3A_42, %swap3A_43] : memref<112x117xf32, #tpu.memory_space<vmem>>, vector<112x117xf32>
      tpu.vector_store %arg7[%swap3A_42, %swap3A_43], %dot_general3A_41 {strides = array<i32>} : memref<112x117xf32, #tpu.memory_space<vmem>>, vector<112x117xf32>,
      %get3A_45 = arith.constant 0 : index
      %get3A_46 = arith.constant 0 : index
      %get3A_47 = vector.load %arg2[%get3A_45, %get3A_46] : memref<512x117xf32, #tpu.memory_space<vmem>>, vector<256x117xf32>
      %dot_general3A_48 = arith.constant dense<0.000000e+00> : vector<112x117xf32>
      %dot_general3A_49 = tpu.matmul %get3A_37, %get3A_47, %dot_general3A_48 {dimension_numbers = #tpu.dot_dimension_numbers<[1], [0], [0], [1], [0, 0, 1, 1], [], []>, transpose_lhs_hint = false} : vector<112x256xf32>, vector<256x117xf32>, vector<112x117xf32> -> vector<112x117xf32>
      %slice3A_50 = vector.extract_strided_slice %dot_general3A_49 {offsets = [0, 0], sizes = [20, 117], strides = [1, 1]} : vector<112x117xf32> to vector<20x117xf32>
      %swap3A_51 = arith.constant 0 : index
      %swap3A_52 = arith.constant 0 : index
      %swap3A_53 = arith.constant 0 : index
      %swap3A_54 = vector.load %arg6[%swap3A_51, %swap3A_52, %swap3A_53] : memref<5x20x117xf32, #tpu.memory_space<vmem>>, vector<1x20x117xf32>
      %swap3A_55 = vector.shape_cast %swap3A_54 : vector<1x20x117xf32> to vector<20x117xf32>
      %swap3A_56 = vector.shape_cast %slice3A_50 : vector<20x117xf32> to vector<1x20x117xf32>
      tpu.vector_store %arg6[%swap3A_51, %swap3A_52, %swap3A_53], %swap3A_56 {strides = array<i32>} : memref<5x20x117xf32, #tpu.memory_space<vmem>>, vector<1x20x117xf32>,
      %slice3A_57 = vector.extract_strided_slice %dot_general3A_49 {offsets = [20, 0], sizes = [20, 117], strides = [1, 1]} : vector<112x117xf32> to vector<20x117xf32>
      %swap3A_58 = arith.constant 1 : index
      %swap3A_59 = arith.constant 0 : index
      %swap3A_60 = arith.constant 0 : index
      %swap3A_61 = vector.load %arg6[%swap3A_58, %swap3A_59, %swap3A_60] : memref<5x20x117xf32, #tpu.memory_space<vmem>>, vector<1x20x117xf32>
      %swap3A_62 = vector.shape_cast %swap3A_61 : vector<1x20x117xf32> to vector<20x117xf32>
      %swap3A_63 = vector.shape_cast %slice3A_57 : vector<20x117xf32> to vector<1x20x117xf32>
      tpu.vector_store %arg6[%swap3A_58, %swap3A_59, %swap3A_60], %swap3A_63 {strides = array<i32>} : memref<5x20x117xf32, #tpu.memory_space<vmem>>, vector<1x20x117xf32>,
      %slice3A_64 = vector.extract_strided_slice %dot_general3A_49 {offsets = [40, 0], sizes = [20, 117], strides = [1, 1]} : vector<112x117xf32> to vector<20x117xf32>
      %swap3A_65 = arith.constant 2 : index
      %swap3A_66 = arith.constant 0 : index
      %swap3A_67 = arith.constant 0 : index
      %swap3A_68 = vector.load %arg6[%swap3A_65, %swap3A_66, %swap3A_67] : memref<5x20x117xf32, #tpu.memory_space<vmem>>, vector<1x20x117xf32>
      %swap3A_69 = vector.shape_cast %swap3A_68 : vector<1x20x117xf32> to vector<20x117xf32>
      %swap3A_70 = vector.shape_cast %slice3A_64 : vector<20x117xf32> to vector<1x20x117xf32>
      tpu.vector_store %arg6[%swap3A_65, %swap3A_66, %swap3A_67], %swap3A_70 {strides = array<i32>} : memref<5x20x117xf32, #tpu.memory_space<vmem>>, vector<1x20x117xf32>,
      %slice3A_71 = vector.extract_strided_slice %dot_general3A_49 {offsets = [60, 0], sizes = [20, 117], strides = [1, 1]} : vector<112x117xf32> to vector<20x117xf32>
      %swap3A_72 = arith.constant 3 : index
      %swap3A_73 = arith.constant 0 : index
      %swap3A_74 = arith.constant 0 : index
      %swap3A_75 = vector.load %arg6[%swap3A_72, %swap3A_73, %swap3A_74] : memref<5x20x117xf32, #tpu.memory_space<vmem>>, vector<1x20x117xf32>
      %swap3A_76 = vector.shape_cast %swap3A_75 : vector<1x20x117xf32> to vector<20x117xf32>
      %swap3A_77 = vector.shape_cast %slice3A_71 : vector<20x117xf32> to vector<1x20x117xf32>
      tpu.vector_store %arg6[%swap3A_72, %swap3A_73, %swap3A_74], %swap3A_77 {strides = array<i32>} : memref<5x20x117xf32, #tpu.memory_space<vmem>>, vector<1x20x117xf32>,
      %slice3A_78 = vector.extract_strided_slice %dot_general3A_49 {offsets = [80, 0], sizes = [20, 117], strides = [1, 1]} : vector<112x117xf32> to vector<20x117xf32>
      %swap3A_79 = arith.constant 4 : index
      %swap3A_80 = arith.constant 0 : index
      %swap3A_81 = arith.constant 0 : index
      %swap3A_82 = vector.load %arg6[%swap3A_79, %swap3A_80, %swap3A_81] : memref<5x20x117xf32, #tpu.memory_space<vmem>>, vector<1x20x117xf32>
      %swap3A_83 = vector.shape_cast %swap3A_82 : vector<1x20x117xf32> to vector<20x117xf32>
      %swap3A_84 = vector.shape_cast %slice3A_78 : vector<20x117xf32> to vector<1x20x117xf32>
      tpu.vector_store %arg6[%swap3A_79, %swap3A_80, %swap3A_81], %swap3A_84 {strides = array<i32>} : memref<5x20x117xf32, #tpu.memory_space<vmem>>, vector<1x20x117xf32>,
    } else {
    }
    %get3A = arith.index_cast %arg0 : i32 to index
    %get3A_2 = arith.constant 0 : index
    %get3A_3 = arith.constant 0 : index
    %get3A_4 = vector.load %arg6[%get3A, %get3A_2, %get3A_3] : memref<5x20x117xf32, #tpu.memory_space<vmem>>, vector<1x20x117xf32>
    %get3A_5 = vector.shape_cast %get3A_4 : vector<1x20x117xf32> to vector<20x117xf32>
    %get3A_6 = arith.constant 0 : index
    %get3A_7 = arith.constant 0 : index
    %get3A_8 = vector.load %arg7[%get3A_6, %get3A_7] : memref<112x117xf32, #tpu.memory_space<vmem>>, vector<112x117xf32>
    %slice3A = vector.extract_strided_slice %get3A_8 {offsets = [0, 0], sizes = [100, 117], strides = [1, 1]} : vector<112x117xf32> to vector<100x117xf32>
    %broadcast_in_dim3A = vector.shape_cast %get3A_5 : vector<20x117xf32> to vector<20x1x117xf32>
    %broadcast_in_dim3A_9 = vector.shape_cast %slice3A : vector<100x117xf32> to vector<1x100x117xf32>
    %add3A = vector.broadcast %broadcast_in_dim3A : vector<20x1x117xf32> to vector<20x100x117xf32>
    %add3A_10 = vector.broadcast %broadcast_in_dim3A_9 : vector<1x100x117xf32> to vector<20x100x117xf32>
    %add3A_11 = arith.addf %add3A, %add3A_10 : vector<20x100x117xf32>
    %get3A_12 = arith.constant 0 : index
    %get3A_13 = arith.constant 0 : index
    %get3A_14 = arith.constant 0 : index
    %get3A_15 = vector.load %arg3[%get3A_12, %get3A_13, %get3A_14] : memref<1x20x1xf32, #tpu.memory_space<vmem>>, vector<1x20x1xf32>
    %get3A_16 = vector.shape_cast %get3A_15 : vector<1x20x1xf32> to vector<20x1xf32>
    %get3A_17 = arith.constant 0 : index
    %get3A_18 = arith.constant 0 : index
    %get3A_19 = vector.load %arg4[%get3A_17, %get3A_18] : memref<1x100xf32, #tpu.memory_space<vmem>>, vector<1x100xf32>
    %mul3A = vector.broadcast %get3A_16 : vector<20x1xf32> to vector<20x100xf32>
    %mul3A_20 = vector.broadcast %get3A_19 : vector<1x100xf32> to vector<20x100xf32>
    %mul3A_21 = arith.mulf %mul3A, %mul3A_20 : vector<20x100xf32>
    %neg3A = arith.constant 0.000000e+00 : f32
    %neg3A_22 = vector.broadcast %neg3A : f32 to vector<20x100x117xf32>
    %neg3A_23 = arith.subf %neg3A_22, %add3A_11 : vector<20x100x117xf32>
    %exp3A = math.exp %neg3A_23 : vector<20x100x117xf32>
    %add3A_24 = arith.constant 1.000000e+00 : f32
    %add3A_25 = vector.broadcast %add3A_24 : f32 to vector<20x100x117xf32>
    %add3A_26 = arith.addf %add3A_25, %exp3A : vector<20x100x117xf32>
    %div3A = arith.constant 1.000000e+00 : f32
    %div3A_27 = vector.broadcast %div3A : f32 to vector<20x100x117xf32>
    %div3A_28 = arith.divf %div3A_27, %add3A_26 : vector<20x100x117xf32>
    %broadcast_in_dim3A_29 = vector.shape_cast %mul3A_21 : vector<20x100xf32> to vector<20x100x1xf32>
    %mul3A_30 = vector.broadcast %broadcast_in_dim3A_29 : vector<20x100x1xf32> to vector<20x100x117xf32>
    %mul3A_31 = arith.mulf %div3A_28, %mul3A_30 : vector<20x100x117xf32>
    %swap3A = arith.constant 0 : index
    %swap3A_32 = arith.constant 0 : index
    %swap3A_33 = arith.constant 0 : index
    %swap3A_34 = vector.load %arg5[%swap3A, %swap3A_32, %swap3A_33] : memref<20x100x117xf32, #tpu.memory_space<vmem>>, vector<20x100x117xf32>
    tpu.vector_store %arg5[%swap3A, %swap3A_32, %swap3A_33], %mul3A_31 {strides = array<i32>} : memref<20x100x117xf32, #tpu.memory_space<vmem>>, vector<20x100x117xf32>,
    return
  }
  func.func @transform_0(%arg0: i32) -> (i32, i32) {
    %c0_i32 = arith.constant 0 : i32
    %c0_i32_0 = arith.constant 0 : i32
    %c0_i32_1 = arith.constant 0 : i32
    return %c0_i32, %c0_i32_0 : i32, i32
  }
  func.func @transform_1(%arg0: i32) -> (i32, i32) {
    %c0_i32 = arith.constant 0 : i32
    %c0_i32_0 = arith.constant 0 : i32
    %c0_i32_1 = arith.constant 0 : i32
    return %c0_i32, %c0_i32_0 : i32, i32
  }
  func.func @transform_2(%arg0: i32) -> (i32, i32, i32) {
    %c0_i32 = arith.constant 0 : i32
    %c0_i32_0 = arith.constant 0 : i32
    %c0_i32_1 = arith.constant 0 : i32
    return %arg0, %c0_i32, %c0_i32_0 : i32, i32, i32
  }
  func.func @transform_3(%arg0: i32) -> (i32, i32) {
    %c0_i32 = arith.constant 0 : i32
    %c0_i32_0 = arith.constant 0 : i32
    %c0_i32_1 = arith.constant 0 : i32
    return %c0_i32, %c0_i32_0 : i32, i32
  }
  func.func @transform_4(%arg0: i32) -> (i32, i32, i32) {
    %c0_i32 = arith.constant 0 : i32
    %c0_i32_0 = arith.constant 0 : i32
    %c0_i32_1 = arith.constant 0 : i32
    return %arg0, %c0_i32, %c0_i32_0 : i32, i32, i32
  }
}

</mosaic_0001>

<sc_bundles>
// kernel: kernel.4.cloned.1.call-start
scs
__scs_entry_jumppad:
0x0: {  	(pc) =	sbr.rel $0x88, $3  }
0x1: {  	(tag) =	ssettag $0x0;
	lr =	simm.s32 $0x1  }
0x2: {  	[smem:$0x3F9C] =	sst lr;
	_ =	strace $0xD0000000  }
0x3: {  	_ = 	snop  }
0x4: {  	_ = 	snop  }
0x5: {  	_ = 	snop  }
0x6: {  	_ = 	snop  }
0x7: {  	_ = 	snop  }
__scs_overlays_trampoline_lowered:
0x8: {  	[smem:$0x3FAB] =	sst s0  }
0x9: {  	[smem:$0x3FAC] =	sst s1  }
0xa: {  	[smem:$0x3FAD] =	sst s2  }
0xb: {  	[smem:$0x3FAE] =	sst s3  }
0xc: {  	[smem:$0x3FAF] =	sst s4  }
0xd: {  	[smem:$0x3FB0] =	sst s5  }
0xe: {  	[smem:$0x3FB1] =	sst s6  }
0xf: {  	[smem:$0x3FB2] =	sst s7  }
0x10: {  	[smem:$0x3FB3] =	sst s8  }
0x11: {  	[smem:$0x3FB4] =	sst s9;
	s0 =	simm.s32 @!p0 $0x0  }
0x12: {  	s1 =	sld [smem:$0x3F9A];
	s0 =	simm.s32 @p0 $0x1  }
0x13: {  	[smem:$0x3FB5] =	sst s0;
	s0 =	simm.s32 @!p1 $0x0  }
0x14: {  	s2 =	sld [smem:$0x3F99];
	s0 =	simm.s32 @p1 $0x1  }
0x15: {  	[smem:$0x3FB6] =	sst s0;
	s0 =	simm.s32 @!p2 $0x0  }
0x16: {  	s3 =	sld [smem:$0x3FDB];
	s0 =	simm.s32 @p2 $0x1  }
0x17: {  	s4 =	simm.s32 $0x1BF5;
	[smem:$0x3FB8] =	sst s0  }
0x18: {  	s0 =	sld [smem:$0x3F9B];
	_ =	swait.ge [sflag:s4], $0x0  }
0x19: {  	s7 =	sld [smem:$0x3F9C]  }
0x1a: {  	s8 =	sadd.s32 $0xFFFFE003, lr  }
0x1b: {  	s9 =	sadd.s32 $0xFFFFFEF7, lr;
	s5 =	simm.s32 $0xFFFFFFFF;
	p2 =	slt.u32 s8, $0xFFFFF086  }
0x1c: {  	p1 =	slt.u32 s9, $0xF7A;
	s5 =	simm.s32 @!p2 $0x0  }
0x1d: {  	s5 =	simm.s32 @p1 $0x1;
	p0 =	seq.s32 s7, s2  }
0x1e: {  	s7 =	smul.u32 @!p0 $0xF7A, s2;
	p2 =	seq.s32 @!p0 s5, $0x0  }
0x1f: {  	s9 =	smul.u32 $0xF7A, s1;
	s8 =	simm.s32 @!p0 $0x1BF5;
	p2 =	por !p2, p0  }
0x20: {  	[sflag:s8] =	ssyncset.s32 @!p0 $0xFFFFF086;
	s6 =	sadd.s32 @!p0 s3, s7;
	s7 =	simm.s32 @!p0 $0x108  }
0x21: {  	s3 =	sadd.s32 s3, s9;
	s6 =	sadd.s32 @!p0 $0x88, s6;
	s7 =	simm.s32 @p2 $0x1082  }
0x22: {  	[simem:s7], [sflag:s8] =	dma.local @!p0 [hbm:s6], $0xF7A  }
0x23: {  	s9 =	sor.u32 $0xD0000000, s2;
	s6 =	simm.s32 $0x108;
	_ =	swait.ge @!p0 [sflag:s8], $0x0  }
0x24: {  	s3 =	sadd.s32 $0x88, s3;
	s6 =	simm.s32 @!p1 $0x1082;
	[sflag:s4] =	ssyncset.s32 $0xFFFFF086  }
0x25: {  	[simem:s6], [sflag:s4] =	dma.local [hbm:s3], $0xF7A  }
0x26: {  	[smem:$0x3F9C] =	sst s1;
	(tag) =	ssettag s2;
	_ =	strace s9  }
0x27: {  	s1 =	sld [smem:$0x3FAC]  }
0x28: {  	s2 =	sld [smem:$0x3FAD]  }
0x29: {  	s4 =	sld [smem:$0x3FAF]  }
0x2a: {  	p0 =	seq.s32 s5, $0x0;
	s5 =	sld [smem:$0x3FB0]  }
0x2b: {  	s6 =	sld [smem:$0x3FB1]  }
0x2c: {  	s7 =	sld [smem:$0x3FB2]  }
0x2d: {  	s3 =	simm.s32 $0x108;
	s8 =	sld [smem:$0x3FB3]  }
0x2e: {  	s3 =	simm.s32 @!p0 $0x1082;
	s9 =	sld [smem:$0x3FB4]  }
0x2f: {  	lr =	sadd.s32 s0, s3;
	s0 =	sld [smem:$0x3FAB]  }
0x30: {  	s3 =	sld [smem:$0x3FAE]  }
0x31: {  	[smem:$0x3FB7] =	sst s10  }
0x32: {  	s10 =	sld [smem:$0x3FB5];
	_ =	sdelay $0x3  }
0x33: {  	p0 =	seq.s32 s10, $0x1;
	s10 =	sld [smem:$0x3FB7];
	_ =	sdelay $0x3  }
0x34: {  	[smem:$0x3FB7] =	sst s10  }
0x35: {  	s10 =	sld [smem:$0x3FB6];
	_ =	sdelay $0x3  }
0x36: {  	p1 =	seq.s32 s10, $0x1;
	s10 =	sld [smem:$0x3FB7];
	_ =	sdelay $0x3  }
0x37: {  	[smem:$0x3FB7] =	sst s10  }
0x38: {  	s10 =	sld [smem:$0x3FB8]  }
0x39: {  	_ = 	snop;
	(pc) =	sbr.ind lr, $3  }
0x3a: {  	_ = 	snop  }
0x3b: {  	_ = 	snop  }
0x3c: {  	p2 =	seq.s32 s10, $0x1;
	s10 =	sld [smem:$0x3FB7]  }
0x3d: {  	_ =	shalt  }
0x3e: {  	_ =	shalt  }
0x3f: {  	_ =	shalt  }
0x40: {  	_ =	shalt  }
0x41: {  	_ =	shalt  }
0x42: {  	_ =	shalt  }
0x43: {  	_ =	shalt  }
0x44: {  	_ =	shalt  }
0x45: {  	_ =	shalt  }
0x46: {  	_ =	shalt  }
0x47: {  	_ =	shalt  }
0x48: {  	_ =	shalt  }
0x49: {  	_ =	shalt  }
0x4a: {  	_ =	shalt  }
0x4b: {  	_ =	shalt  }
0x4c: {  	_ =	shalt  }
0x4d: {  	_ =	shalt  }
0x4e: {  	_ =	shalt  }
0x4f: {  	_ =	shalt  }
0x50: {  	_ =	shalt  }
0x51: {  	_ =	shalt  }
0x52: {  	_ =	shalt  }
0x53: {  	_ =	shalt  }
0x54: {  	_ =	shalt  }
0x55: {  	_ =	shalt  }
0x56: {  	_ =	shalt  }
0x57: {  	_ =	shalt  }
0x58: {  	_ =	shalt  }
0x59: {  	_ =	shalt  }
0x5a: {  	_ =	shalt  }
0x5b: {  	_ =	shalt  }
0x5c: {  	_ =	shalt  }
0x5d: {  	_ =	shalt  }
0x5e: {  	_ =	shalt  }
0x5f: {  	_ =	shalt  }
0x60: {  	_ =	shalt  }
0x61: {  	_ =	shalt  }
0x62: {  	_ =	shalt  }
0x63: {  	_ =	shalt  }
0x64: {  	_ =	shalt  }
0x65: {  	_ =	shalt  }
0x66: {  	_ =	shalt  }
0x67: {  	_ =	shalt  }
0x68: {  	_ =	shalt  }
0x69: {  	_ =	shalt  }
0x6a: {  	_ =	shalt  }
0x6b: {  	_ =	shalt  }
0x6c: {  	_ =	shalt  }
0x6d: {  	_ =	shalt  }
0x6e: {  	_ =	shalt  }
0x6f: {  	_ =	shalt  }
0x70: {  	_ =	shalt  }
0x71: {  	_ =	shalt  }
0x72: {  	_ =	shalt  }
0x73: {  	_ =	shalt  }
0x74: {  	_ =	shalt  }
0x75: {  	_ =	shalt  }
0x76: {  	_ =	shalt  }
0x77: {  	_ =	shalt  }
0x78: {  	_ =	shalt  }
0x79: {  	_ =	shalt  }
0x7a: {  	_ =	shalt  }
0x7b: {  	_ =	shalt  }
0x7c: {  	_ =	shalt  }
0x7d: {  	_ =	shalt  }
0x7e: {  	_ =	shalt  }
0x7f: {  	_ =	shalt  }
0x80: {  	_ =	shalt  }
0x81: {  	_ =	shalt  }
0x82: {  	_ =	shalt  }
0x83: {  	_ =	shalt  }
0x84: {  	_ =	shalt  }
0x85: {  	_ =	shalt  }
0x86: {  	_ =	shalt  }
0x87: {  	_ =	shalt  }
.Lfunc_end0:
.L_simem_size_0:
called_computation_lowered:
.L_overlay_start_0:
0x88: {  	s2 =	sld [smem:$0x3FD9]  }
0x89: {  	s3 =	sld [smem:$0x3FFE];
	_ =	sdelay $0x1  }
0x8a: {  	s1 =	srdreg.scid  }
0x8b: {  	s0 =	sand.u32 $0x1, s1  }
0x8c: {  	s17 =	sshll.u32 s0, $0xA;
	s2 =	sadd.s32 s3, s2  }
0x8d: {  	s2 =	sadd.s32 s2, s17  }
0x8e: {  	[smem:$0x3FC3] =	sst s2  }
0x8f: {  	_ = 	snop  }
0x90: {  	s2 =	sld [smem:$0x3FC8]  }
0x91: {  	s18 =	sld [smem:$0x3FC7]  }
0x92: {  	s4 =	sld [smem:$0x3FC6]  }
0x93: {  	s5 =	sld [smem:$0x3FD0];
	(tm) =	ssettm $0x1  }
0x94: {  	s6 =	sld [smem:$0x3FFB];
	_ =	sdelay $0x3  }
0x95: {  	_ =	strace s6  }
0x96: {  	s6 =	sld [smem:$0x3FFC];
	_ =	sdelay $0x3  }
0x97: {  	_ =	strace s6  }
0x98: {  	s6 =	sld [smem:$0x3FFD];
	_ =	sdelay $0x3  }
0x99: {  	_ =	strace s6  }
0x9a: {  	_ =	strace $0x8FFFFFFF  }
0x9b: {  	s19 =	sld [smem:$0x3FDB];
	_ =	sdelay $0x1  }
0x9c: {  	s7 =	simm.s32 $_scs_section_size  }
0x9d: {  	s8 =	simm.s32 $_size__tile_overlayer_lowered;
	s9 =	simm.s32 $_tile_overlayer_lowered  }
0x9e: {  	s22 =	simm.s32 $0x1BFF;
	s21 =	sshll.u32 s9, $0x1;
	s6 =	sadd.s32 s7, s19  }
0x9f: {  	s10 =	simm.s32 $0x0;
	s20 =	sshll.u32 s8, $0x1;
	s8 =	sadd.s32 s21, s6  }
0xa0: {  	[timem:s10], [sflag:s22] =	dma.local [hbm:s8], s20  }
0xa1: {  	_ =	swait.ge [sflag:s22], s20  }
0xa2: {  	s7 =	ssub.s32 $0x0, s20;
	[sflag:s22] =	ssyncset.done $0x0  }
0xa3: {  	[sflag:s22] =	ssyncadd.s32 s7;
	_ =	sdelay $0x1  }
0xa4: {  	s23 =	simm.s32 $0x1B8B  }
0xa5: {  	_ =	swait.ge [sflag:s23], $0x1  }
0xa6: {  	[sflag:s23] =	ssyncset.done $0x0  }
0xa7: {  	s25 =	simm.s32 $0x1B8E;
	s24 =	sld [smem:$0x3FFE];
	[sflag:s23] =	ssyncadd.s32 $0xFFFFFFFF  }
0xa8: {  	s26 =	simm.s32 $execute0_lowered;
	[smem:$0x3FD2] =	sst s25  }
0xa9: {  	s8 =	sshll.u32 s26, $0x1;
	_ =	strace $0x80000046;
	[dreg:$0x1] =	wrdreg $0xFFFFFFFF  }
0xaa: {  	s28 =	simm.s32 $_size_execute0_lowered;
	s6 =	sadd.s32 s6, s8;
	[dreg:$0x0] =	wrdreg $0x0  }
0xab: {  	s8 =	sshll.u32 s28, $0x1;
	[dreg:$0x2] =	wrdreg s6  }
0xac: {  	[dreg:$0x3] =	wrdreg s8  }
0xad: {  	[dreg:$0x4] =	wrdreg $0xC0  }
0xae: {  	_ =	task [dreg:s10], $0x5FFFF  }
0xaf: {  	[dreg:$0x1] =	wrdreg $0xFFFFFFFF  }
0xb0: {  	[dreg:$0x0] =	wrdreg $0x60  }
0xb1: {  	[dreg:$0x2] =	wrdreg s24  }
0xb2: {  	[dreg:$0x3] =	wrdreg s2  }
0xb3: {  	[dreg:$0x4] =	wrdreg s18  }
0xb4: {  	[dreg:$0x5] =	wrdreg s4  }
0xb5: {  	[dreg:$0x6] =	wrdreg s5  }
0xb6: {  	[dreg:$0x7] =	wrdreg $0x9  }
0xb7: {  	_ =	task.clear_ibuf [dreg:s10], $0x8FFFF;
	_ =	strace $0x90000046  }
0xb8: {  	s29 =	simm.s32 $0x9;
	_ =	strace $0x80000048  }
0xb9: {  	_ =	swait.ge [sflag:s29], $0x1  }
0xba: {  	[sflag:s29] =	ssyncadd.s32 $0xFFFFFFFF  }
0xbb: {  	_ =	strace $0x90000048  }
0xbc: {  	_ =	sfence  }
0xbd: {  	s30 =	sld [smem:$0x0];
	_ =	sdelay $0x2  }
0xbe: {  	s31 =	sshll.u32 s1, $0xD;
	s1 =	sshrl.u32 s1, $0x2  }
0xbf: {  	s3 =	sand.u32 $0x4000, s31;
	s1 =	sadd.s32 s1, s30  }
0xc0: {  	s0 =	sor.u32 s3, s0;
	s1 =	sshll.u32 s1, $0x11  }
0xc1: {  	s0 =	sor.u32 s1, s0  }
0xc2: {  	s0 =	sadd.s32 $0x8F2B, s0  }
0xc3: {  	[sflag:s0] =	ssyncadd.remote.s32 $0x1  }
0xc4: {  	_ =	sfence.sel $0xFFFF  }
0xc5: {  	[dreg:$0x0] =	wrdreg $0xFFFFFFFF;
	(pc) =	sbr.abs _section_cstart, $3  }
0xc6: {  	[dreg:$0x1] =	wrdreg $0xFFFFFFFF  }
0xc7: {  	_ =	task.clear_ibuf [dreg:s10], $0x2FFFF;
	_ =	strace $0x9FFFFFFF  }
0xc8: {  	(tm) =	ssettm $0x7FFFFFFF  }
0xc9: {  	_ =	shalt  }
tec
execute0_lowered:
.L_overlay_start_1:
0x0: {  	(tag) =	ssettag $0x1  }
0x1: {  	s1 =	srdreg.scid  }
0x2: {  	s2 =	stileid.u32;
	s1 =	sand.u32 $0x1, s1  }
0x3: {  	s2 =	sshll.u32 s2, $0x1;
	s3 =	ssub.s32 $0x0, s1  }
0x4: {  	p0 =	sne.s32 s2, s3  }
.Ltmp0:
0x5: {  	_ = 	snop;
	(pc) =	sbr.rel @p0 .LBB2_5-.Ltmp0, $3  }
0x6: {  	_ =	sdelay $0x1  }
0x7: {  	s0 =	rddreg [dreg:$0x0]  }
0x8: {  	s5 =	rddreg [dreg:$0x3];
	_ =	strace $0x80000047  }
0x9: {  	s1 =	ssub.s32 $0x2, s1  }
0xa: {  	s7 =	sadd.s32 $0x400, s0;
	s8 =	sadd.s32 $0xE00, s0;
	s9 =	sadd.s32 $0x1200, s0  }
0xb: {  	s10 =	sadd.s32 $0x1400, s0;
	s12 =	simm.s32 $0x0;
	s13 =	simm.s32 $0x5000;
	v0 =	vimm.f32 $0.0e+00;
	v1 =	vimm.s32 $0x0;
	v2 =	vlaneseq.u32  }
0xc: {  	s14 =	simm.s32 $0x6400;
	s15 =	simm.s32 $0x7800;
	s17 =	simm.s32 $0x1;
	vm0 =	vmmov $0xffff;
	v3 =	vand.u32 $0x3, v2;
	v4 =	vor.u32 $0x10, v2  }
0xd: {  	s18 =	simm.s32 $0xA480;
	s4 =	simm.s32 $0x10C80;
	s2 =	sshrl.u32 s1, $0x1;
	v5 =	vor.u32 $0x20, v2;
	v6 =	vor.u32 $0x30, v2;
	v7 =	vor.u32 $0x40, v2  }
0xe: {  	s3 =	simm.s32 $0xA300;
	s6 =	simm.s32 $0x0;
	v8 =	vor.u32 $0x50, v2;
	v9 =	vor.u32 $0x60, v2;
	v11 =	vshrl.u32 v2, $0x3;
	s1 =	ssub.s32 s1, s2  }
0xf: {  	v10 =	vand.u32 $0x7, v2;
	v12 =	vor.u32 $0x8, v2;
	s2 =	simm.s32 $0x2;
	v11 =	vmul.u32 $0x8, v11;
	s11 =	smax.u32 s1, $0x1;
	s1 =	simm.s32 $0xA280  }
.LBB2_2:
0x10: {  	[tilespmem:s12], [sflag:$0x1] =	stream.linear.gather [hbm4b:s7+s12], $0x4E20, $0x38;
	[tilespmem:$0x11480] =	vst v63  }
0x11: {  	s16 =	rddreg [dreg:$0x1]  }
0x12: {  	[tilespmem:s13], [sflag:$0x1] =	stream.linear.gather [hbm4b:s16+s12], $0x1388, $0x38;
	[tilespmem:$0x11480] =	vst v63  }
0x13: {  	s29 =	rddreg [dreg:$0x2]  }
0x14: {  	[tilespmem:s14], [sflag:$0x1] =	stream.linear.gather [hbm4b:s29+s12], $0x1388, $0x38;
	[tilespmem:$0x11480] =	vst v63  }
0x15: {  	_ = 	snop  }
0x16: {  	[tilespmem:s15], [sflag:$0x1] =	stream.linear.gather [hbm4b:s0+s12], $0x1388, $0x38;
	[tilespmem:$0x11480] =	vst v63  }
0x17: {  	s30 =	simm.s32 $0x8C00  }
0x18: {  	[tilespmem:s30], [sflag:$0x1] =	stream.linear.gather [hbm4b:s8+s12], $0x1388, $0x38;
	[tilespmem:$0x11480] =	vst v63  }
0x19: {  	[tilespmem:$0xA000] =	vst v0  }
0x1a: {  	[tilespmem:$0xA080] =	vst v0  }
0x1b: {  	[tilespmem:$0xA100] =	vst v0  }
0x1c: {  	[tilespmem:$0xA180] =	vst v0  }
0x1d: {  	[tilespmem:$0xA200] =	vst v0  }
0x1e: {  	[tilespmem:$0xA280] =	vst v0  }
0x1f: {  	[tilespmem:$0xA300] =	vst v0  }
0x20: {  	[tilespmem:$0xA380] =	vst v1  }
0x21: {  	[tilespmem:$0xA400] =	vst v1  }
0x22: {  	[tilespmem:$0xA010] =	vst v0  }
0x23: {  	[tilespmem:$0xA090] =	vst v0  }
0x24: {  	[tilespmem:$0xA110] =	vst v0  }
0x25: {  	[tilespmem:$0xA190] =	vst v0  }
0x26: {  	[tilespmem:$0xA210] =	vst v0  }
0x27: {  	[tilespmem:$0xA290] =	vst v0  }
0x28: {  	[tilespmem:$0xA310] =	vst v0  }
0x29: {  	[tilespmem:$0xA390] =	vst v1  }
0x2a: {  	[tilespmem:$0xA410] =	vst v1  }
0x2b: {  	[tilespmem:$0xA020] =	vst v0  }
0x2c: {  	[tilespmem:$0xA0A0] =	vst v0  }
0x2d: {  	[tilespmem:$0xA120] =	vst v0  }
0x2e: {  	[tilespmem:$0xA1A0] =	vst v0  }
0x2f: {  	[tilespmem:$0xA220] =	vst v0  }
0x30: {  	[tilespmem:$0xA2A0] =	vst v0  }
0x31: {  	[tilespmem:$0xA320] =	vst v0  }
0x32: {  	[tilespmem:$0xA3A0] =	vst v1  }
0x33: {  	[tilespmem:$0xA420] =	vst v1  }
0x34: {  	[tilespmem:$0xA030] =	vst v0  }
0x35: {  	[tilespmem:$0xA0B0] =	vst v0  }
0x36: {  	[tilespmem:$0xA130] =	vst v0  }
0x37: {  	[tilespmem:$0xA1B0] =	vst v0  }
0x38: {  	[tilespmem:$0xA230] =	vst v0  }
0x39: {  	[tilespmem:$0xA2B0] =	vst v0  }
0x3a: {  	[tilespmem:$0xA330] =	vst v0  }
0x3b: {  	[tilespmem:$0xA3B0] =	vst v1  }
0x3c: {  	[tilespmem:$0xA430] =	vst v1  }
0x3d: {  	[tilespmem:$0xA040] =	vst v0  }
0x3e: {  	[tilespmem:$0xA0C0] =	vst v0  }
0x3f: {  	[tilespmem:$0xA140] =	vst v0  }
0x40: {  	[tilespmem:$0xA1C0] =	vst v0  }
0x41: {  	[tilespmem:$0xA240] =	vst v0  }
0x42: {  	[tilespmem:$0xA2C0] =	vst v0  }
0x43: {  	[tilespmem:$0xA340] =	vst v0  }
0x44: {  	[tilespmem:$0xA3C0] =	vst v1  }
0x45: {  	[tilespmem:$0xA440] =	vst v1  }
0x46: {  	[tilespmem:$0xA050] =	vst v0  }
0x47: {  	[tilespmem:$0xA0D0] =	vst v0  }
0x48: {  	[tilespmem:$0xA150] =	vst v0  }
0x49: {  	[tilespmem:$0xA1D0] =	vst v0  }
0x4a: {  	[tilespmem:$0xA250] =	vst v0  }
0x4b: {  	[tilespmem:$0xA2D0] =	vst v0  }
0x4c: {  	[tilespmem:$0xA350] =	vst v0  }
0x4d: {  	[tilespmem:$0xA3D0] =	vst v1  }
0x4e: {  	[tilespmem:$0xA450] =	vst v1  }
0x4f: {  	[tilespmem:$0xA060] =	vst v0  }
0x50: {  	[tilespmem:$0xA0E0] =	vst v0  }
0x51: {  	[tilespmem:$0xA160] =	vst v0  }
0x52: {  	[tilespmem:$0xA1E0] =	vst v0  }
0x53: {  	[tilespmem:$0xA260] =	vst v0  }
0x54: {  	[tilespmem:$0xA2E0] =	vst v0  }
0x55: {  	[tilespmem:$0xA360] =	vst v0  }
0x56: {  	[tilespmem:$0xA3E0] =	vst v1  }
0x57: {  	[tilespmem:$0xA460] =	vst v1  }
0x58: {  	_ =	swait.ge [sflag:s17], $0x4E20  }
0x59: {  	[sflag:s17] =	ssyncset.done $0x0  }
0x5a: {  	[sflag:s17] =	ssyncadd.s32 $0xFFFFB1E0  }
0x5b: {  	_ =	swait.ge [sflag:s17], $0x1388  }
0x5c: {  	[sflag:s17] =	ssyncset.done $0x0  }
0x5d: {  	[sflag:s17] =	ssyncadd.s32 $0xFFFFEC78  }
0x5e: {  	_ =	swait.ge [sflag:s17], $0x1388  }
0x5f: {  	[sflag:s17] =	ssyncset.done $0x0  }
0x60: {  	[sflag:s17] =	ssyncadd.s32 $0xFFFFEC78  }
0x61: {  	_ =	swait.ge [sflag:s17], $0x1388  }
0x62: {  	[sflag:s17] =	ssyncset.done $0x0  }
0x63: {  	[sflag:s17] =	ssyncadd.s32 $0xFFFFEC78  }
0x64: {  	_ =	swait.ge [sflag:s17], $0x1388  }
0x65: {  	[sflag:s17] =	ssyncset.done $0x0  }
0x66: {  	[sflag:s17] =	ssyncadd.s32 $0xFFFFEC78  }
0x67: {  	v13 =	vld [tilespmem:$0x8C00];
	_ =	sdelay $0x4  }
0x68: {  	v14 =	vbroadcast v13, $0x0;
	_ =	sdelay $0x3  }
0x69: {  	(v2sf) =	vpush v13, $0x0;
	_ =	sdelay $0x1  }
0x6a: {  	v13 =	vld.idx.msk [tilespmem:v14+s14+$0x0], $0xffff;
	_ =	sdelay $0x4  }
0x6b: {  	(v2sf) =	vpush v13, $0x0;
	_ =	sdelay $0x7  }
0x6c: {  	s19 =	spop (v2sf)  }
0x6d: {  	s31 =	sshll.u32 s19, $0x2  }
0x6e: {  	v13 =	vor.u32 s31, v3;
	_ =	sdelay $0x4  }
0x6f: {  	s20 =	simm.s32 $0x0;
	s16 =	simm.s32 $0x0;
	v13 =	vld.idx.msk [tilespmem:v13+s12+$0x0], $0xffff;
	s23 =	spop (v2sf)  }
.LBB2_3:
0x70: {  	s21 =	sadd.s32 $0x1, s20  }
0x71: {  	s22 =	smin.u32 s21, $0x1387  }
0x72: {  	v14 =	vld [tilespmem:s22+$0x8C00];
	_ =	sdelay $0x4  }
0x73: {  	v15 =	vbroadcast v14, $0x0;
	_ =	sdelay $0x5  }
0x74: {  	v15 =	vld.idx.msk [tilespmem:v15+s14+$0x0], $0xffff;
	_ =	sdelay $0x3  }
0x75: {  	(v2sf) =	vpush v14, $0x0  }
0x76: {  	v16 =	vld [tilespmem:$0xA080];
	(v2sf) =	vpush v15, $0x0  }
0x77: {  	v17 =	vld [tilespmem:$0xA110];
	(v2sf) =	vpush v13, $0x0  }
0x78: {  	v18 =	vld [tilespmem:$0xA010];
	(v2sf) =	vpush v13, $0x1  }
0x79: {  	v19 =	vld [tilespmem:$0xA190]  }
0x7a: {  	v20 =	vld [tilespmem:$0xA090];
	(v2sf) =	vpush v13, $0x2  }
0x7b: {  	v23 =	vld [tilespmem:$0xA120];
	(v2sf) =	vpush v13, $0x3  }
0x7c: {  	v60 =	vld [tilespmem:$0xA1A0]  }
0x7d: {  	v62 =	vld [tilespmem:$0xA0A0]  }
0x7e: {  	v33 =	vld [tilespmem:$0xA030]  }
0x7f: {  	v24 =	vld [tilespmem:$0xA1B0]  }
0x80: {  	v25 =	vld [tilespmem:$0xA0B0]  }
0x81: {  	v26 =	vld [tilespmem:$0xA140]  }
0x82: {  	v27 =	vld [tilespmem:$0xA040]  }
0x83: {  	s24 =	scvt.s32.f32 s23;
	v29 =	vld [tilespmem:$0xA050]  }
0x84: {  	v14 =	vld [tilespmem:$0xA000];
	s22 =	spop (v2sf)  }
0x85: {  	v45 =	vld [tilespmem:$0xA060];
	s24 =	smul.f32 $8.020000000e+02, s24;
	s23 =	spop (v2sf)  }
0x86: {  	v48 =	vld [tilespmem:$0xA0E0];
	s25 =	spop (v2sf)  }
0x87: {  	v13 =	vld [tilespmem:$0xA100];
	s28 =	spop (v2sf);
	s26 =	sadd.f32 s24, s25  }
0x88: {  	v15 =	vld [tilespmem:$0xA180];
	s28 =	sadd.f32 s24, s28  }
0x89: {  	v28 =	vld [tilespmem:$0xA1C0];
	s30 =	spop (v2sf);
	v14 =	vmax.f32 v14, s26;
	v57 =	vmax.f32 v18, s26;
	v38 =	vmax.f32 v33, s26  }
0x8a: {  	v42 =	vld [tilespmem:$0xA160];
	s25 =	sadd.f32 s24, s30;
	s29 =	spop (v2sf);
	v44 =	vmax.f32 v27, s26;
	v50 =	vmax.f32 v29, s26;
	v16 =	vmax.f32 v16, s28  }
0x8b: {  	v47 =	vld [tilespmem:$0xA1E0];
	s24 =	sadd.f32 s24, s29;
	v59 =	vmax.f32 v20, s28;
	v18 =	vmax.f32 v62, s28;
	v41 =	vmax.f32 v25, s28  }
0x8c: {  	v56 =	vld [tilespmem:$0xA020];
	v25 =	vmax.f32 v48, s28;
	v13 =	vmin.f32 v13, s25;
	v23 =	vmin.f32 v23, s25  }
0x8d: {  	v32 =	vld [tilespmem:$0xA130];
	v43 =	vmin.f32 v26, s25;
	v26 =	vmax.f32 v45, s26;
	v15 =	vmin.f32 v15, s24  }
0x8e: {  	v34 =	vld [tilespmem:$0xA0C0];
	v13 =	vsub.f32 v13, v14;
	v58 =	vmin.f32 v19, s24;
	v20 =	vmin.f32 v60, s24  }
0x8f: {  	v40 =	vmin.f32 v24, s24;
	v46 =	vmin.f32 v28, s24;
	v24 =	vmin.f32 v42, s25  }
0x90: {  	v21 =	vld [tilespmem:$0xA200];
	v53 =	vmin.f32 v47, s24;
	v14 =	vsub.f32 v15, v16;
	v15 =	vmin.f32 v17, s25  }
0x91: {  	v22 =	vld [tilespmem:$0xA210];
	s31 =	ssub.f32 s25, s26;
	v61 =	vsub.f32 v58, v59;
	v16 =	vmax.f32 v56, s26;
	v18 =	vsub.f32 v20, v18  }
0x92: {  	v35 =	vld [tilespmem:$0xA150];
	s30 =	ssub.f32 s24, s28;
	v17 =	vmin.f32 v32, s25;
	v19 =	vsub.f32 v40, v41;
	v24 =	vsub.f32 v24, v26  }
0x93: {  	v20 =	vmax.f32 v34, s28;
	v55 =	vsub.f32 v53, v25;
	v15 =	vsub.f32 v15, v57  }
0x94: {  	s29 =	smul.f32 s30, s31;
	v13 =	vmax.f32 v13, $0.0e+00;
	v16 =	vsub.f32 v23, v16;
	v14 =	vmax.f32 v14, $0.0e+00  }
0x95: {  	v63 =	vld [tilespmem:$0xA220];
	v17 =	vsub.f32 v17, v38;
	v20 =	vsub.f32 v46, v20;
	v13 =	vmul.f32 v14, v13  }
0x96: {  	v51 =	vld [tilespmem:$0xA240];
	v14 =	vmax.f32 v15, $0.0e+00;
	v15 =	vmax.f32 v61, $0.0e+00;
	v21 =	vadd.f32 s29, v21  }
0x97: {  	v54 =	vld [tilespmem:$0xA260];
	v23 =	vmin.f32 v35, s25;
	v14 =	vmul.f32 v15, v14;
	v15 =	vadd.f32 s29, v22  }
0x98: {  	v39 =	vld [tilespmem:$0xA0D0];
	v18 =	vmax.f32 v18, $0.0e+00;
	v19 =	vmax.f32 v19, $0.0e+00;
	v21 =	vsub.f32 v21, v13  }
0x99: {  	v49 =	vld [tilespmem:$0xA230];
	v23 =	vsub.f32 v23, v50;
	v24 =	vmax.f32 v24, $0.0e+00;
	v15 =	vsub.f32 v15, v14  }
0x9a: {  	v36 =	vld [tilespmem:$0xA1D0];
	v16 =	vmax.f32 v16, $0.0e+00;
	v37 =	vadd.f32 s29, v63;
	v21 =	vadd.f32 $9.999999930e-09, v21  }
0x9b: {  	v17 =	vmax.f32 v17, $0.0e+00;
	v20 =	vmax.f32 v20, $0.0e+00;
	v15 =	vadd.f32 $9.999999930e-09, v15  }
0x9c: {  	v56 =	vadd.f32 s29, v51;
	v57 =	vadd.f32 s29, v54;
	v21 =	vmul.f32 $5.000000000e-01, v21  }
0x9d: {  	v22 =	vsub.f32 v43, v44;
	v17 =	vmul.f32 v19, v17;
	v15 =	vmul.f32 $5.000000000e-01, v15  }
0x9e: {  	v52 =	vld [tilespmem:$0xA250];
	v19 =	vadd.f32 s29, v49;
	v13 =	vsub.f32 v13, v21;
	v21 =	vmax.f32 v39, s28  }
0x9f: {  	v14 =	vsub.f32 v14, v15;
	v15 =	vmul.f32 v18, v16;
	v16 =	vmin.f32 v36, s24  }
0xa0: {  	v23 =	vmax.f32 v23, $0.0e+00;
	v22 =	vmax.f32 v22, $0.0e+00;
	v16 =	vsub.f32 v16, v21  }
0xa1: {  	v19 =	vsub.f32 v19, v17;
	v20 =	vmul.f32 v20, v22;
	v22 =	vmax.f32 v55, $0.0e+00  }
0xa2: {  	v22 =	vmul.f32 v22, v24;
	v18 =	vsub.f32 v37, v15;
	v16 =	vmax.f32 v16, $0.0e+00  }
0xa3: {  	v19 =	vadd.f32 $9.999999930e-09, v19;
	v21 =	vadd.f32 s29, v52;
	v16 =	vmul.f32 v16, v23  }
0xa4: {  	v18 =	vadd.f32 $9.999999930e-09, v18;
	v23 =	vsub.f32 v56, v20  }
0xa5: {  	v24 =	vsub.f32 v57, v22;
	v21 =	vsub.f32 v21, v16  }
0xa6: {  	v18 =	vmul.f32 $5.000000000e-01, v18;
	v23 =	vadd.f32 $9.999999930e-09, v23  }
0xa7: {  	v58 =	vmul.f32 $5.000000000e-01, v19;
	v61 =	vadd.f32 $9.999999930e-09, v24;
	v59 =	vadd.f32 $9.999999930e-09, v21  }
0xa8: {  	v13 =	vmax.f32 v13, $0.0e+00;
	v15 =	vsub.f32 v15, v18;
	v60 =	vmul.f32 $5.000000000e-01, v23  }
0xa9: {  	v13 =	vmax.f32 v13, v14;
	v14 =	vsub.f32 v17, v58;
	v62 =	vmul.f32 $5.000000000e-01, v59  }
0xaa: {  	v63 =	vmul.f32 $5.000000000e-01, v61;
	v13 =	vmax.f32 v13, v15;
	v15 =	vsub.f32 v20, v60  }
0xab: {  	v13 =	vmax.f32 v13, v14;
	v14 =	vsub.f32 v16, v62  }
0xac: {  	v13 =	vmax.f32 v13, v15;
	v15 =	vsub.f32 v22, v63  }
0xad: {  	v13 =	vmax.f32 v13, v14  }
0xae: {  	v13 =	vmax.f32 v13, v15  }
0xaf: {  	vm1 =	vgt.f32 v13, $0.0e+00  }
0xb0: {  	v13 =	vmpcnt.ones.xlane vm1;
	_ =	sdelay $0x1  }
0xb1: {  	(v2sf) =	vpush v13, $0x0;
	_ =	sdelay $0xe  }
0xb2: {  	s31 =	spop (v2sf)  }
0xb3: {  	s30 =	sshll.u32 s22, $0x2;
	p0 =	sgt.s32 s31, $0x0  }
0xb4: {  	v13 =	vor.u32 s30, v3;
	v14 =	vmov @!p0 s16  }
0xb5: {  	v16 =	vmov s28;
	s28 =	simm.s32 $0x1;
	p1 =	slt.s32 s31, $0x1  }
0xb6: {  	s28 =	simm.s32 @!p1 $0x0  }
0xb7: {  	p1 =	sgt.u32 s20, $0x1386;
	s16 =	sadd.s32 s28, s16  }
0xb8: {  	v15 =	vmov s26;
	s26 =	simm.s32 @!p0 $0xA000;
	p2 =	slt.u32 @!p1 s16, $0x64  }
0xb9: {  	v13 =	vld.idx.msk [tilespmem:v13+s12+$0x0], $0xffff;
	p1 =	por p1, !p2;
	[tilespmem:v14+s26+$0x0] =	vst.idx.msk @!p0 $0x1, v15;
	s26 =	simm.s32 @!p0 $0xA080  }
.Ltmp1:
0xba: {  	v15 =	vmov s25;
	s25 =	simm.s32 @!p0 $0xA100;
	[tilespmem:v14+s26+$0x0] =	vst.idx.msk @!p0 $0x1, v16;
	(pc) =	sbr.rel @!p1 .LBB2_3-.Ltmp1, $4  }
0xbb: {  	v16 =	vmov s24;
	s24 =	simm.s32 @!p0 $0xA180;
	[tilespmem:v14+s25+$0x0] =	vst.idx.msk @!p0 $0x1, v15  }
0xbc: {  	s20 =	simm.s32 @!p0 $0xA200;
	v15 =	vmov s29;
	[tilespmem:v14+s24+$0x0] =	vst.idx.msk @!p0 $0x1, v16  }
0xbd: {  	[tilespmem:v14+s20+$0x0] =	vst.idx.msk @!p0 $0x1, v15;
	v15 =	vmov @!p0 s19;
	s19 =	simm.s32 @!p0 $0xA400  }
0xbe: {  	s20 =	smov.u32 s21;
	[tilespmem:v14+s19+$0x0] =	vst.idx.msk @!p0 $0x1, v15;
	s19 =	smov.u32 s22  }
0xbf: {  	v13 =	vld [tilespmem:$0xA400];
	_ =	sdelay $0x7  }
0xc0: {  	v14 =	vld.idx.msk [tilespmem:v13+s13+$0x0], $0xffff  }
0xc1: {  	v15 =	vld.idx.msk [tilespmem:v13+s14+$0x0], $0xffff;
	_ =	sdelay $0x2  }
0xc2: {  	v16 =	vmov s16  }
0xc3: {  	vm1 =	vgt.u32 v16, v2  }
0xc4: {  	v14 =	vnsel vm1, $0x0, v14;
	vm1 =	veq.s32 v15, $0x1  }
0xc5: {  	v15 =	vld [tilespmem:$0xA410];
	[tilespmem:$0xA300] =	vst v14;
	v14 =	vnsel vm1, $0x0, v14  }
0xc6: {  	[tilespmem:$0xA280] =	vst v14  }
0xc7: {  	v13 =	vld.idx.msk [tilespmem:v13+s15+$0x0], $0xffff;
	_ =	sdelay $0x4  }
0xc8: {  	[tilespmem:$0xA380] =	vst v13  }
0xc9: {  	v13 =	vld.idx.msk [tilespmem:v15+s13+$0x0], $0xffff  }
0xca: {  	v14 =	vld.idx.msk [tilespmem:v15+s14+$0x0], $0xffff;
	_ =	sdelay $0x3  }
0xcb: {  	vm1 =	vgt.u32 v16, v4  }
0xcc: {  	v13 =	vnsel vm1, $0x0, v13;
	vm1 =	veq.s32 v14, $0x1  }
0xcd: {  	v14 =	vld [tilespmem:$0xA420];
	[tilespmem:$0xA310] =	vst v13;
	v13 =	vnsel vm1, $0x0, v13  }
0xce: {  	[tilespmem:$0xA290] =	vst v13  }
0xcf: {  	v13 =	vld.idx.msk [tilespmem:v15+s15+$0x0], $0xffff;
	_ =	sdelay $0x4  }
0xd0: {  	[tilespmem:$0xA390] =	vst v13  }
0xd1: {  	v13 =	vld.idx.msk [tilespmem:v14+s13+$0x0], $0xffff  }
0xd2: {  	v15 =	vld.idx.msk [tilespmem:v14+s14+$0x0], $0xffff;
	_ =	sdelay $0x3  }
0xd3: {  	vm1 =	vgt.u32 v16, v5  }
0xd4: {  	v13 =	vnsel vm1, $0x0, v13;
	vm1 =	veq.s32 v15, $0x1  }
0xd5: {  	v15 =	vld [tilespmem:$0xA430];
	[tilespmem:$0xA320] =	vst v13;
	v13 =	vnsel vm1, $0x0, v13  }
0xd6: {  	[tilespmem:$0xA2A0] =	vst v13  }
0xd7: {  	v13 =	vld.idx.msk [tilespmem:v14+s15+$0x0], $0xffff;
	_ =	sdelay $0x4  }
0xd8: {  	[tilespmem:$0xA3A0] =	vst v13  }
0xd9: {  	v13 =	vld.idx.msk [tilespmem:v15+s13+$0x0], $0xffff  }
0xda: {  	v14 =	vld.idx.msk [tilespmem:v15+s14+$0x0], $0xffff;
	_ =	sdelay $0x3  }
0xdb: {  	vm1 =	vgt.u32 v16, v6  }
0xdc: {  	v13 =	vnsel vm1, $0x0, v13;
	vm1 =	veq.s32 v14, $0x1  }
0xdd: {  	v14 =	vld [tilespmem:$0xA440];
	[tilespmem:$0xA330] =	vst v13;
	v13 =	vnsel vm1, $0x0, v13  }
0xde: {  	[tilespmem:$0xA2B0] =	vst v13  }
0xdf: {  	v13 =	vld.idx.msk [tilespmem:v15+s15+$0x0], $0xffff;
	_ =	sdelay $0x4  }
0xe0: {  	[tilespmem:$0xA3B0] =	vst v13  }
0xe1: {  	v13 =	vld.idx.msk [tilespmem:v14+s13+$0x0], $0xffff  }
0xe2: {  	v15 =	vld.idx.msk [tilespmem:v14+s14+$0x0], $0xffff;
	_ =	sdelay $0x3  }
0xe3: {  	vm1 =	vgt.u32 v16, v7  }
0xe4: {  	v13 =	vnsel vm1, $0x0, v13;
	vm1 =	veq.s32 v15, $0x1  }
0xe5: {  	v15 =	vld [tilespmem:$0xA450];
	[tilespmem:$0xA340] =	vst v13;
	v13 =	vnsel vm1, $0x0, v13  }
0xe6: {  	[tilespmem:$0xA2C0] =	vst v13  }
0xe7: {  	v13 =	vld.idx.msk [tilespmem:v14+s15+$0x0], $0xffff;
	_ =	sdelay $0x4  }
0xe8: {  	[tilespmem:$0xA3C0] =	vst v13  }
0xe9: {  	v13 =	vld.idx.msk [tilespmem:v15+s13+$0x0], $0xffff  }
0xea: {  	v14 =	vld.idx.msk [tilespmem:v15+s14+$0x0], $0xffff;
	_ =	sdelay $0x3  }
0xeb: {  	vm1 =	vgt.u32 v16, v8  }
0xec: {  	v13 =	vnsel vm1, $0x0, v13;
	vm1 =	veq.s32 v14, $0x1  }
0xed: {  	v14 =	vld [tilespmem:$0xA460];
	[tilespmem:$0xA350] =	vst v13;
	v13 =	vnsel vm1, $0x0, v13  }
0xee: {  	[tilespmem:$0xA2D0] =	vst v13  }
0xef: {  	v13 =	vld.idx.msk [tilespmem:v15+s15+$0x0], $0xffff;
	_ =	sdelay $0x4  }
0xf0: {  	v15 =	vld [tilespmem:$0xA380];
	[tilespmem:$0xA3D0] =	vst v13  }
0xf1: {  	v13 =	vld.idx.msk [tilespmem:v14+s13+$0x0], $0xffff  }
0xf2: {  	v17 =	vld.idx.msk [tilespmem:v14+s14+$0x0], $0xffff;
	_ =	sdelay $0x3  }
0xf3: {  	vm1 =	vgt.u32 v16, v9;
	v63 =	vshll.u32 v15, $0x1;
	v15 =	vand.u32 $0x7, v15  }
0xf4: {  	v16 =	vand.u32 $0xFFFFFFF0, v63;
	v13 =	vnsel vm1, $0x0, v13;
	vm1 =	veq.s32 v17, $0x1  }
0xf5: {  	v15 =	vor.u32 v15, v16;
	[tilespmem:$0xA360] =	vst v13;
	v13 =	vnsel vm1, $0x0, v13  }
0xf6: {  	[tilespmem:$0xA2E0] =	vst v13;
	v13 =	vperm.xlane v15, v10  }
0xf7: {  	v14 =	vld.idx.msk [tilespmem:v14+s15+$0x0], $0xffff  }
0xf8: {  	v15 =	vperm.xlane v15, v12;
	v13 =	vadd.s32 v11, v13;
	_ =	sdelay $0x1  }
0xf9: {  	v15 =	vadd.s32 v11, v15;
	_ =	sdelay $0x1  }
0xfa: {  	[tilespmem:$0xA3E0] =	vst v14  }
0xfb: {  	[tilespmem:s18], [sflag:$0x1] =	stream.indirect_vreg.gather [hbm4b:s5+s12], $0x80, v13, vm0, $0xb8;
	[tilespmem:$0x11480] =	vst v63  }
0xfc: {  	s31 =	simm.s32 $0xAC80  }
0xfd: {  	[tilespmem:s31], [sflag:$0x1] =	stream.indirect_vreg.gather [hbm4b:s5+s12], $0x80, v15, vm0, $0xb8;
	[tilespmem:$0x11480] =	vst v63  }
0xfe: {  	v13 =	vld [tilespmem:$0xA390];
	_ =	sdelay $0x4  }
0xff: {  	v14 =	vshll.u32 v13, $0x1  }
0x100: {  	v13 =	vand.u32 $0x7, v13;
	v14 =	vand.u32 $0xFFFFFFF0, v14  }
0x101: {  	v13 =	vor.u32 v13, v14  }
0x102: {  	v14 =	vperm.xlane v13, v10;
	_ =	sdelay $0x1  }
0x103: {  	v13 =	vperm.xlane v13, v12;
	v14 =	vadd.s32 v11, v14;
	_ =	sdelay $0x1  }
0x104: {  	v13 =	vadd.s32 v11, v13;
	_ =	sdelay $0x1  }
0x105: {  	s19 =	simm.s32 $0xB480  }
0x106: {  	[tilespmem:s19], [sflag:$0x1] =	stream.indirect_vreg.gather [hbm4b:s5+s12], $0x80, v14, vm0, $0xb8;
	[tilespmem:$0x11480] =	vst v63  }
0x107: {  	s20 =	simm.s32 $0xBC80  }
0x108: {  	[tilespmem:s20], [sflag:$0x1] =	stream.indirect_vreg.gather [hbm4b:s5+s12], $0x80, v13, vm0, $0xb8;
	[tilespmem:$0x11480] =	vst v63  }
0x109: {  	v13 =	vld [tilespmem:$0xA3A0];
	_ =	sdelay $0x4  }
0x10a: {  	v14 =	vshll.u32 v13, $0x1  }
0x10b: {  	v13 =	vand.u32 $0x7, v13;
	v14 =	vand.u32 $0xFFFFFFF0, v14  }
0x10c: {  	v13 =	vor.u32 v13, v14  }
0x10d: {  	v14 =	vperm.xlane v13, v10;
	_ =	sdelay $0x1  }
0x10e: {  	v13 =	vperm.xlane v13, v12;
	v14 =	vadd.s32 v11, v14;
	_ =	sdelay $0x1  }
0x10f: {  	v13 =	vadd.s32 v11, v13;
	_ =	sdelay $0x1  }
0x110: {  	s21 =	simm.s32 $0xC480  }
0x111: {  	[tilespmem:s21], [sflag:$0x1] =	stream.indirect_vreg.gather [hbm4b:s5+s12], $0x80, v14, vm0, $0xb8;
	[tilespmem:$0x11480] =	vst v63  }
0x112: {  	s22 =	simm.s32 $0xCC80  }
0x113: {  	[tilespmem:s22], [sflag:$0x1] =	stream.indirect_vreg.gather [hbm4b:s5+s12], $0x80, v13, vm0, $0xb8;
	[tilespmem:$0x11480] =	vst v63  }
0x114: {  	v13 =	vld [tilespmem:$0xA3B0];
	_ =	sdelay $0x4  }
0x115: {  	v14 =	vshll.u32 v13, $0x1  }
0x116: {  	v13 =	vand.u32 $0x7, v13;
	v14 =	vand.u32 $0xFFFFFFF0, v14  }
0x117: {  	v13 =	vor.u32 v13, v14  }
0x118: {  	v14 =	vperm.xlane v13, v10;
	_ =	sdelay $0x1  }
0x119: {  	v13 =	vperm.xlane v13, v12;
	v14 =	vadd.s32 v11, v14;
	_ =	sdelay $0x1  }
0x11a: {  	v13 =	vadd.s32 v11, v13;
	_ =	sdelay $0x1  }
0x11b: {  	s23 =	simm.s32 $0xD480  }
0x11c: {  	[tilespmem:s23], [sflag:$0x1] =	stream.indirect_vreg.gather [hbm4b:s5+s12], $0x80, v14, vm0, $0xb8;
	[tilespmem:$0x11480] =	vst v63  }
0x11d: {  	s24 =	simm.s32 $0xDC80  }
0x11e: {  	[tilespmem:s24], [sflag:$0x1] =	stream.indirect_vreg.gather [hbm4b:s5+s12], $0x80, v13, vm0, $0xb8;
	[tilespmem:$0x11480] =	vst v63  }
0x11f: {  	v13 =	vld [tilespmem:$0xA3C0];
	_ =	sdelay $0x4  }
0x120: {  	v14 =	vshll.u32 v13, $0x1  }
0x121: {  	v13 =	vand.u32 $0x7, v13;
	v14 =	vand.u32 $0xFFFFFFF0, v14  }
0x122: {  	v13 =	vor.u32 v13, v14  }
0x123: {  	v14 =	vperm.xlane v13, v10;
	_ =	sdelay $0x1  }
0x124: {  	v13 =	vperm.xlane v13, v12;
	v14 =	vadd.s32 v11, v14;
	_ =	sdelay $0x1  }
0x125: {  	v13 =	vadd.s32 v11, v13;
	_ =	sdelay $0x1  }
0x126: {  	s25 =	simm.s32 $0xE480  }
0x127: {  	[tilespmem:s25], [sflag:$0x1] =	stream.indirect_vreg.gather [hbm4b:s5+s12], $0x80, v14, vm0, $0xb8;
	[tilespmem:$0x11480] =	vst v63  }
0x128: {  	s26 =	simm.s32 $0xEC80  }
0x129: {  	[tilespmem:s26], [sflag:$0x1] =	stream.indirect_vreg.gather [hbm4b:s5+s12], $0x80, v13, vm0, $0xb8;
	[tilespmem:$0x11480] =	vst v63  }
0x12a: {  	v13 =	vld [tilespmem:$0xA3D0];
	_ =	sdelay $0x4  }
0x12b: {  	v14 =	vshll.u32 v13, $0x1  }
0x12c: {  	v13 =	vand.u32 $0x7, v13;
	v14 =	vand.u32 $0xFFFFFFF0, v14  }
0x12d: {  	v13 =	vor.u32 v13, v14  }
0x12e: {  	v14 =	vperm.xlane v13, v10;
	_ =	sdelay $0x1  }
0x12f: {  	v13 =	vperm.xlane v13, v12;
	v14 =	vadd.s32 v11, v14;
	_ =	sdelay $0x1  }
0x130: {  	v13 =	vadd.s32 v11, v13;
	_ =	sdelay $0x1  }
0x131: {  	s28 =	simm.s32 $0xF480  }
0x132: {  	[tilespmem:s28], [sflag:$0x1] =	stream.indirect_vreg.gather [hbm4b:s5+s12], $0x80, v14, vm0, $0xb8;
	[tilespmem:$0x11480] =	vst v63  }
0x133: {  	s29 =	simm.s32 $0xFC80  }
0x134: {  	[tilespmem:s29], [sflag:$0x1] =	stream.indirect_vreg.gather [hbm4b:s5+s12], $0x80, v13, vm0, $0xb8;
	[tilespmem:$0x11480] =	vst v63  }
0x135: {  	v13 =	vld [tilespmem:$0xA3E0];
	_ =	sdelay $0x4  }
0x136: {  	v14 =	vshll.u32 v13, $0x1  }
0x137: {  	v13 =	vand.u32 $0x7, v13;
	v14 =	vand.u32 $0xFFFFFFF0, v14  }
0x138: {  	v13 =	vor.u32 v13, v14  }
0x139: {  	v14 =	vperm.xlane v13, v10;
	_ =	sdelay $0x1  }
0x13a: {  	v13 =	vperm.xlane v13, v12;
	v14 =	vadd.s32 v11, v14;
	_ =	sdelay $0x1  }
0x13b: {  	v13 =	vadd.s32 v11, v13;
	_ =	sdelay $0x1  }
0x13c: {  	s30 =	simm.s32 $0x10480  }
0x13d: {  	[tilespmem:s30], [sflag:$0x1] =	stream.indirect_vreg.gather [hbm4b:s5+s12], $0x80, v14, vm0, $0xb8;
	[tilespmem:$0x11480] =	vst v63  }
0x13e: {  	_ = 	snop  }
0x13f: {  	[tilespmem:s4], [sflag:$0x1] =	stream.indirect_vreg.gather [hbm4b:s5+s12], $0x80, v13, vm0, $0xb8;
	[tilespmem:$0x11480] =	vst v63  }
0x140: {  	_ =	swait.ge [sflag:s17], $0x7000  }
0x141: {  	[sflag:s17] =	ssyncset.done $0x0  }
0x142: {  	[sflag:s17] =	ssyncadd.s32 $0xFFFF9000  }
0x143: {  	s31 =	rddreg [dreg:$0x4]  }
0x144: {  	[hbm4b:s31+s12] =	stream.linear.scatter [tilespmem:s18], [sflag:$0x2], $0x7000, $0x38;
	[tilespmem:$0x11480] =	vst v63  }
0x145: {  	_ =	swait.ge [sflag:s2], $0x7000  }
0x146: {  	[sflag:s2] =	ssyncset.done $0x0  }
0x147: {  	[sflag:s2] =	ssyncadd.s32 $0xFFFF9000  }
0x148: {  	[hbm4b:s9+s12] =	stream.linear.scatter [tilespmem:s1], [sflag:$0x2], $0x64, $0x38;
	[tilespmem:$0x11480] =	vst v63  }
0x149: {  	s6 =	sadd.s32 $0x1, s6;
	_ =	swait.ge [sflag:s2], $0x64  }
0x14a: {  	p0 =	sne.s32 s6, s11;
	[sflag:s2] =	ssyncset.done $0x0  }
.Ltmp2:
0x14b: {  	[sflag:s2] =	ssyncadd.s32 $0xFFFFFF9C;
	(pc) =	sbr.rel @p0 .LBB2_2-.Ltmp2, $4  }
0x14c: {  	[hbm4b:s10+s12] =	stream.linear.scatter [tilespmem:s3], [sflag:$0x2], $0x64, $0x38;
	[tilespmem:$0x11480] =	vst v63  }
0x14d: {  	_ =	swait.ge [sflag:s2], $0x64  }
0x14e: {  	[sflag:s2] =	ssyncset.done $0x0  }
0x14f: {  	[sflag:s2] =	ssyncadd.s32 $0xFFFFFF9C  }
.LBB2_5:
0x150: {  	_ =	sfence.sel $0x180000  }
0x151: {  	[bflag:$0x0] =	sbarrier.arrive $0xFFFF  }
0x152: {  	_ =	strace $0x90000047  }
0x153: {  	s0 =	stileid.u32;
	[bflag:$0x2] =	sbarrier.arrive $0xFFFF  }
0x154: {  	p0 =	sne.s32 s0, $0x0;
	s0 =	rddreg [dreg:$0x5]  }
0x155: {  	s0 =	sadd.s32 @!p0 $0x100000, s0  }
0x156: {  	[sflag:s0] =	ssyncadd.tile.s32 @!p0 $0x1;
	_ =	shalt  }
.Lfunc_end2:
_tile_overlayer_lowered:
.L_overlay_start_2:
0x157: {  	(tag) =	ssettag $0x2  }
0x158: {  	s0 =	rddreg [dreg:$0x0];
	s2 =	stileid.u32  }
0x159: {  	s1 =	rddreg [dreg:$0x1];
	p0 =	sne.s32 s2, $0x0  }
0x15a: {  	s3 =	rddreg [dreg:$0x2];
	[bflag:$0x3] =	sbarrier.arrive $0xFFFF;
	s2 =	simm.s32 @!p0 $0x1C02  }
0x15b: {  	[timem:s3], [sflag:s2] =	dma.local @!p0 [hbm:s0], s1  }
0x15c: {  	s0 =	simm.s32 @!p0 $0x2  }
0x15d: {  	_ =	swait.ge @!p0 [sflag:s0], s1  }
0x15e: {  	s1 =	ssub.s32 @!p0 $0x0, s1;
	[sflag:s0] =	ssyncset.done @!p0 $0x0  }
0x15f: {  	[sflag:s0] =	ssyncadd.s32 @!p0 s1  }
0x160: {  	[bflag:$0x3] =	sbarrier.arrive $0xFFFF  }
0x161: {  	_ =	shalt  }

</sc_bundles>
